<compile_context>
chip_gen: v7x
topology: tpu7x:2x2x1
jax: 0.10.2.dev20260603
libtpu: 0.0.44.dev20260713+nightly
codegen_flags: <defaults>
</compile_context>

<pallas_src>
import functools

import jax
import jax.numpy as jnp
from jax import lax
from jax.experimental import pallas as pl
from jax.experimental.pallas import tpu as pltpu
from jax.experimental.pallas import tpu_sc as plsc

_NUM_CORES = 2
_NUM_SUBCORES = 16
_NUM_WORKERS = _NUM_CORES * _NUM_SUBCORES


@functools.lru_cache(maxsize=None)
def _make_sc_gather(V, D, B, chunk, groups):
  assert B % _NUM_WORKERS == 0
  b_per_w = B // _NUM_WORKERS
  assert sum(groups) == b_per_w and all(g % chunk == 0 for g in groups)
  group_max = max(groups)
  starts = [sum(groups[:i]) for i in range(len(groups))]
  n_groups = len(groups)
  mesh = plsc.VectorSubcoreMesh(
      core_axis_name="c", subcore_axis_name="s",
      num_cores=_NUM_CORES, num_subcores=_NUM_SUBCORES)

  @functools.partial(
      pl.kernel,
      mesh=mesh,
      out_type=jax.ShapeDtypeStruct((B, D), jnp.float32),
      scratch_types=[
          pltpu.VMEM((b_per_w,), jnp.int32),
          pltpu.VMEM((2, group_max, D), jnp.float32),
          pltpu.SemaphoreType.DMA,
          pltpu.SemaphoreType.DMA,
      ],
  )
  def gather_kernel(table_hbm, idx_hbm, out_hbm, idx_v, rows_v, gsem, wsem):
    wid = lax.axis_index("s") * _NUM_CORES + lax.axis_index("c")
    base = wid * b_per_w
    pltpu.sync_copy(idx_hbm.at[pl.ds(base, b_per_w)], idx_v)

    def start_group(g):
      buf = rows_v.at[g % 2]
      return [
          pltpu.async_copy(
              table_hbm.at[idx_v.at[pl.ds(starts[g] + c * chunk, chunk)]],
              buf.at[pl.ds(c * chunk, chunk)], gsem)
          for c in range(groups[g] // chunk)
      ]

    def start_write(g):
      return pltpu.async_copy(
          rows_v.at[g % 2].at[pl.ds(0, groups[g])],
          out_hbm.at[pl.ds(base + starts[g], groups[g])], wsem)

    gathers = start_group(0)
    writes = [None] * n_groups
    for g in range(n_groups):
      if g + 1 < n_groups:
        if g >= 1:
          writes[g - 1].wait()
        nxt = start_group(g + 1)
      for cp in gathers:
        cp.wait()
      writes[g] = start_write(g)
      if g + 1 < n_groups:
        gathers = nxt
    writes[n_groups - 2].wait()
    writes[n_groups - 1].wait()

  return gather_kernel


@functools.lru_cache(maxsize=None)
def _make_sc_gather_tiled(V, D, B, S, s_pad):
  spw = B // _NUM_WORKERS
  gsz = 8
  n_groups = spw // gsz
  assert n_groups % 2 == 0

  mesh = plsc.VectorSubcoreMesh(
      core_axis_name="c", subcore_axis_name="s",
      num_cores=_NUM_CORES, num_subcores=_NUM_SUBCORES)

  @functools.partial(
      pl.kernel,
      mesh=mesh,
      out_type=jax.ShapeDtypeStruct((B, S, D), jnp.float32),
      compiler_params=pltpu.CompilerParams(use_tc_tiling_on_sc=True),
      scratch_types=[
          pltpu.VMEM((spw * s_pad,), jnp.int32),
          pltpu.VMEM((gsz, S, D), jnp.float32),
          pltpu.VMEM((gsz, S, D), jnp.float32),
          pltpu.SemaphoreType.DMA,
          pltpu.SemaphoreType.DMA,
      ],
  )
  def gather_kernel(table_hbm, idx_hbm, out_hbm, idx_v, buf_a, buf_b, gsem,
                    wsem):
    wid = lax.axis_index("s") * _NUM_CORES + lax.axis_index("c")
    pltpu.sync_copy(idx_hbm.at[pl.ds(wid * spw * s_pad, spw * s_pad)], idx_v)

    def start_group(g, buf):
      return [
          pltpu.async_copy(
              table_hbm.at[idx_v.at[pl.ds((g * gsz + i) * s_pad, S)]],
              buf.at[i], gsem)
          for i in range(gsz)
      ]

    def write_group(g, buf):
      return pltpu.async_copy(
          out_hbm.at[pl.ds(wid * spw + g * gsz, gsz)], buf, wsem)

    def body(t, carry):
      ga = start_group(2 * t, buf_a)
      gb = start_group(2 * t + 1, buf_b)
      for cp in ga:
        cp.wait()
      wa = pltpu.async_copy(buf_a,
                            out_hbm.at[pl.ds(wid * spw + 2 * t * gsz, gsz)],
                            wsem)
      for cp in gb:
        cp.wait()
      wb = pltpu.async_copy(buf_b,
                            out_hbm.at[pl.ds(wid * spw + (2 * t + 1) * gsz,
                                             gsz)],
                            wsem)
      wa.wait()
      wb.wait()
      return carry

    lax.fori_loop(0, n_groups // 2, body, 0)

  return gather_kernel


def kernel(word_inputs, word_seq_lengths, char_inputs, char_seq_lengths,
           char_seq_recover, W):
  B, S = word_inputs.shape
  V, D = W.shape
  idx = word_inputs.astype(jnp.int32).T.reshape(B * S)
  out = _make_sc_gather(V, D, B * S, 80, (400, 400, 400, 400))(W, idx)
  return out.reshape(S, B, D).transpose(1, 0, 2)

# --- scband reference (transcript-rebuilt; emitter-appended) ---
"""Pipeline reference for scband-word-rep-25305947308045 (READ-ONLY COPY).

The authoritative reference and input builder live on the scoring server;
editing this copy changes nothing except your own understanding.
"""

import jax, jax.numpy as jnp
import numpy as np

VOCAB = 100000
EMB_DIM = 128
BATCH = 1024
SENT_LEN = 50
WORD_LEN = 20
CHAR_VOCAB = 128


def setup_inputs(seed: int = 0) -> dict:
    key = jax.random.key(seed)
    ks = jax.random.split(key, 5)
    word_inputs = jax.random.randint(ks[0], (BATCH, SENT_LEN), 0, VOCAB, dtype=jnp.int64 if jax.config.jax_enable_x64 else jnp.int32)
    word_seq_lengths = jax.random.randint(ks[1], (BATCH,), 1, SENT_LEN + 1)
    char_inputs = jax.random.randint(ks[2], (BATCH * SENT_LEN, WORD_LEN), 0, CHAR_VOCAB)
    char_seq_lengths = jax.random.randint(ks[3], (BATCH * SENT_LEN,), 1, WORD_LEN + 1)
    char_seq_recover = jnp.arange(BATCH * SENT_LEN)
    # word embedding table initialized like random_embedding(vocab, dim):
    # uniform(-scale, scale) with scale = sqrt(3/dim)
    scale = float(np.sqrt(3.0 / EMB_DIM))
    W = jax.random.uniform(ks[4], (VOCAB, EMB_DIM), minval=-scale, maxval=scale, dtype=jnp.float32)
    return {
        "word_inputs": word_inputs,
        "word_seq_lengths": word_seq_lengths,
        "char_inputs": char_inputs,
        "char_seq_lengths": char_seq_lengths,
        "char_seq_recover": char_seq_recover,
        "W": W,
    }


def reference(word_inputs, word_seq_lengths, char_inputs, char_seq_lengths, char_seq_recover, W):
    # WordRep.forward with use_char=False: word embedding lookup, then dropout
    # (identity at inference). char_* args are accepted but unused, matching
    # the original forward signature.
    word_embs = jnp.take(W, word_inputs, axis=0)  # (batch, sent_len, emb_dim)
    return word_embs

if __name__ == "__main__":
    import jax
    _d = setup_inputs()
    print(jax.jit(kernel)(*tuple(_d.values())))

</pallas_src>

<mosaic_0001>
#map = affine_map<(d0, d1) -> (0, 0)>
#map1 = affine_map<(d0, d1) -> (0)>
module attributes {stable_mosaic.version = 14 : i64} {
  func.func @gather_kernel(%arg0: i32, %arg1: i32, %arg2: memref<100000x128xf32, #tpu.memory_space<hbm>>, %arg3: memref<51200xi32, #tpu.memory_space<hbm>>, %arg4: memref<51200x128xf32, #tpu.memory_space<hbm>>, %arg5: memref<1600xi32, #tpu.memory_space<vmem>>, %arg6: memref<2x400x128xf32, #tpu.memory_space<vmem>>, %arg7: memref<!tpu.dma_semaphore, #tpu.memory_space<semaphore_mem>>, %arg8: memref<!tpu.dma_semaphore, #tpu.memory_space<semaphore_mem>>) attributes {dimension_semantics = [#tpu.dimension_semantics<core_parallel>, #tpu.dimension_semantics<subcore_parallel>], iteration_bounds = array<i64: 2, 16>, scalar_prefetch = 0 : i64, scratch_operands = 4 : i64, tpu.core_type = #tpu.core_type<sc_vector_subcore>, window_params = [{transform_indices = #map}, {transform_indices = #map1}, {transform_indices = #map}]} {
    %mul3A = arith.constant 2 : i32
    %mul3A_0 = arith.muli %arg1, %mul3A : i32
    %add3A = arith.addi %mul3A_0, %arg0 : i32
    %mul3A_1 = arith.constant 1600 : i32
    %mul3A_2 = arith.muli %add3A, %mul3A_1 : i32
    "tpu.region"() ({
      %run_scoped3A = tpu.sem_alloc : memref<!tpu.dma_semaphore, #tpu.memory_space<semaphore_mem>>
      %dma_start3A_681 = tpu.memref_slice %arg3[%mul3A_2] : memref<51200xi32, #tpu.memory_space<hbm>> -> memref<1600xi32, #tpu.memory_space<hbm>>
      %dma_start3A_682 = tpu.memref_slice %arg3[%mul3A_2] : memref<51200xi32, #tpu.memory_space<hbm>> -> memref<1600xi32, #tpu.memory_space<hbm>>
      tpu.enqueue_dma source(%dma_start3A_682 : memref<1600xi32, #tpu.memory_space<hbm>>) target(%arg5 : memref<1600xi32, #tpu.memory_space<vmem>>) target_semaphore(%run_scoped3A : memref<!tpu.dma_semaphore, #tpu.memory_space<semaphore_mem>>)
      %dma_wait3A_683 = tpu.memref_slice %arg3[%mul3A_2] : memref<51200xi32, #tpu.memory_space<hbm>> -> memref<1600xi32, #tpu.memory_space<hbm>>
      %dma_wait3A_684 = tpu.memref_slice %arg3[%mul3A_2] : memref<51200xi32, #tpu.memory_space<hbm>> -> memref<1600xi32, #tpu.memory_space<hbm>>
      tpu.wait_dma2 semaphore(%run_scoped3A : memref<!tpu.dma_semaphore, #tpu.memory_space<semaphore_mem>>) src(%dma_wait3A_684 : memref<1600xi32, #tpu.memory_space<hbm>>) dst(%arg5 : memref<1600xi32, #tpu.memory_space<vmem>>)
      tpu.yield
    }) : () -> ()
    %dma_start3A = arith.constant 0 : i32
    %dma_start3A_3 = arith.constant 0 : i32
    %dma_start3A_4 = arith.constant 0 : i32
    %dma_start3A_5 = tpu.memref_slice %arg6[%dma_start3A, %dma_start3A_3, %dma_start3A_4] : memref<2x400x128xf32, #tpu.memory_space<vmem>> -> memref<1x400x128xf32, #tpu.memory_space<vmem>>
    %dma_start3A_6 = tpu.memref_squeeze %dma_start3A_5 : memref<1x400x128xf32, #tpu.memory_space<vmem>> -> memref<400x128xf32, #tpu.memory_space<vmem>>
    %dma_start3A_7 = arith.constant 0 : i32
    %dma_start3A_8 = arith.constant 0 : i32
    %dma_start3A_9 = tpu.memref_slice %dma_start3A_6[%dma_start3A_7, %dma_start3A_8] : memref<400x128xf32, #tpu.memory_space<vmem>> -> memref<80x128xf32, #tpu.memory_space<vmem>>
    %dma_start3A_10 = arith.constant 0 : i32
    %dma_start3A_11 = tpu.memref_slice %arg5[%dma_start3A_10] : memref<1600xi32, #tpu.memory_space<vmem>> -> memref<80xi32, #tpu.memory_space<vmem>>
    %dma_start3A_12 = arith.constant 0 : i32
    %dma_start3A_13 = arith.constant 0 : i32
    %dma_start3A_14 = tpu.memref_slice %arg2[%dma_start3A_12, %dma_start3A_13] : memref<100000x128xf32, #tpu.memory_space<hbm>> -> memref<100000x128xf32, #tpu.memory_space<hbm>>
    tpu.enqueue_indirect_dma source(%dma_start3A_14 : memref<100000x128xf32, #tpu.memory_space<hbm>>) target(%dma_start3A_9 : memref<80x128xf32, #tpu.memory_space<vmem>>) offsets(%dma_start3A_11 : memref<80xi32, #tpu.memory_space<vmem>>) semaphore(%arg7 : memref<!tpu.dma_semaphore, #tpu.memory_space<semaphore_mem>>)
    %dma_start3A_15 = arith.constant 0 : i32
    %dma_start3A_16 = arith.constant 0 : i32
    %dma_start3A_17 = arith.constant 0 : i32
    %dma_start3A_18 = tpu.memref_slice %arg6[%dma_start3A_15, %dma_start3A_16, %dma_start3A_17] : memref<2x400x128xf32, #tpu.memory_space<vmem>> -> memref<1x400x128xf32, #tpu.memory_space<vmem>>
    %dma_start3A_19 = tpu.memref_squeeze %dma_start3A_18 : memref<1x400x128xf32, #tpu.memory_space<vmem>> -> memref<400x128xf32, #tpu.memory_space<vmem>>
    %dma_start3A_20 = arith.constant 80 : i32
    %dma_start3A_21 = arith.constant 0 : i32
    %dma_start3A_22 = tpu.memref_slice %dma_start3A_19[%dma_start3A_20, %dma_start3A_21] : memref<400x128xf32, #tpu.memory_space<vmem>> -> memref<80x128xf32, #tpu.memory_space<vmem>>
    %dma_start3A_23 = arith.constant 80 : i32
    %dma_start3A_24 = tpu.memref_slice %arg5[%dma_start3A_23] : memref<1600xi32, #tpu.memory_space<vmem>> -> memref<80xi32, #tpu.memory_space<vmem>>
    %dma_start3A_25 = arith.constant 0 : i32
    %dma_start3A_26 = arith.constant 0 : i32
    %dma_start3A_27 = tpu.memref_slice %arg2[%dma_start3A_25, %dma_start3A_26] : memref<100000x128xf32, #tpu.memory_space<hbm>> -> memref<100000x128xf32, #tpu.memory_space<hbm>>
    tpu.enqueue_indirect_dma source(%dma_start3A_27 : memref<100000x128xf32, #tpu.memory_space<hbm>>) target(%dma_start3A_22 : memref<80x128xf32, #tpu.memory_space<vmem>>) offsets(%dma_start3A_24 : memref<80xi32, #tpu.memory_space<vmem>>) semaphore(%arg7 : memref<!tpu.dma_semaphore, #tpu.memory_space<semaphore_mem>>)
    %dma_start3A_28 = arith.constant 0 : i32
    %dma_start3A_29 = arith.constant 0 : i32
    %dma_start3A_30 = arith.constant 0 : i32
    %dma_start3A_31 = tpu.memref_slice %arg6[%dma_start3A_28, %dma_start3A_29, %dma_start3A_30] : memref<2x400x128xf32, #tpu.memory_space<vmem>> -> memref<1x400x128xf32, #tpu.memory_space<vmem>>
    %dma_start3A_32 = tpu.memref_squeeze %dma_start3A_31 : memref<1x400x128xf32, #tpu.memory_space<vmem>> -> memref<400x128xf32, #tpu.memory_space<vmem>>
    %dma_start3A_33 = arith.constant 160 : i32
    %dma_start3A_34 = arith.constant 0 : i32
    %dma_start3A_35 = tpu.memref_slice %dma_start3A_32[%dma_start3A_33, %dma_start3A_34] : memref<400x128xf32, #tpu.memory_space<vmem>> -> memref<80x128xf32, #tpu.memory_space<vmem>>
    %dma_start3A_36 = arith.constant 160 : i32
    %dma_start3A_37 = tpu.memref_slice %arg5[%dma_start3A_36] : memref<1600xi32, #tpu.memory_space<vmem>> -> memref<80xi32, #tpu.memory_space<vmem>>
    %dma_start3A_38 = arith.constant 0 : i32
    %dma_start3A_39 = arith.constant 0 : i32
    %dma_start3A_40 = tpu.memref_slice %arg2[%dma_start3A_38, %dma_start3A_39] : memref<100000x128xf32, #tpu.memory_space<hbm>> -> memref<100000x128xf32, #tpu.memory_space<hbm>>
    tpu.enqueue_indirect_dma source(%dma_start3A_40 : memref<100000x128xf32, #tpu.memory_space<hbm>>) target(%dma_start3A_35 : memref<80x128xf32, #tpu.memory_space<vmem>>) offsets(%dma_start3A_37 : memref<80xi32, #tpu.memory_space<vmem>>) semaphore(%arg7 : memref<!tpu.dma_semaphore, #tpu.memory_space<semaphore_mem>>)
    %dma_start3A_41 = arith.constant 0 : i32
    %dma_start3A_42 = arith.constant 0 : i32
    %dma_start3A_43 = arith.constant 0 : i32
    %dma_start3A_44 = tpu.memref_slice %arg6[%dma_start3A_41, %dma_start3A_42, %dma_start3A_43] : memref<2x400x128xf32, #tpu.memory_space<vmem>> -> memref<1x400x128xf32, #tpu.memory_space<vmem>>
    %dma_start3A_45 = tpu.memref_squeeze %dma_start3A_44 : memref<1x400x128xf32, #tpu.memory_space<vmem>> -> memref<400x128xf32, #tpu.memory_space<vmem>>
    %dma_start3A_46 = arith.constant 240 : i32
    %dma_start3A_47 = arith.constant 0 : i32
    %dma_start3A_48 = tpu.memref_slice %dma_start3A_45[%dma_start3A_46, %dma_start3A_47] : memref<400x128xf32, #tpu.memory_space<vmem>> -> memref<80x128xf32, #tpu.memory_space<vmem>>
    %dma_start3A_49 = arith.constant 240 : i32
    %dma_start3A_50 = tpu.memref_slice %arg5[%dma_start3A_49] : memref<1600xi32, #tpu.memory_space<vmem>> -> memref<80xi32, #tpu.memory_space<vmem>>
    %dma_start3A_51 = arith.constant 0 : i32
    %dma_start3A_52 = arith.constant 0 : i32
    %dma_start3A_53 = tpu.memref_slice %arg2[%dma_start3A_51, %dma_start3A_52] : memref<100000x128xf32, #tpu.memory_space<hbm>> -> memref<100000x128xf32, #tpu.memory_space<hbm>>
    tpu.enqueue_indirect_dma source(%dma_start3A_53 : memref<100000x128xf32, #tpu.memory_space<hbm>>) target(%dma_start3A_48 : memref<80x128xf32, #tpu.memory_space<vmem>>) offsets(%dma_start3A_50 : memref<80xi32, #tpu.memory_space<vmem>>) semaphore(%arg7 : memref<!tpu.dma_semaphore, #tpu.memory_space<semaphore_mem>>)
    %dma_start3A_54 = arith.constant 0 : i32
    %dma_start3A_55 = arith.constant 0 : i32
    %dma_start3A_56 = arith.constant 0 : i32
    %dma_start3A_57 = tpu.memref_slice %arg6[%dma_start3A_54, %dma_start3A_55, %dma_start3A_56] : memref<2x400x128xf32, #tpu.memory_space<vmem>> -> memref<1x400x128xf32, #tpu.memory_space<vmem>>
    %dma_start3A_58 = tpu.memref_squeeze %dma_start3A_57 : memref<1x400x128xf32, #tpu.memory_space<vmem>> -> memref<400x128xf32, #tpu.memory_space<vmem>>
    %dma_start3A_59 = arith.constant 320 : i32
    %dma_start3A_60 = arith.constant 0 : i32
    %dma_start3A_61 = tpu.memref_slice %dma_start3A_58[%dma_start3A_59, %dma_start3A_60] : memref<400x128xf32, #tpu.memory_space<vmem>> -> memref<80x128xf32, #tpu.memory_space<vmem>>
    %dma_start3A_62 = arith.constant 320 : i32
    %dma_start3A_63 = tpu.memref_slice %arg5[%dma_start3A_62] : memref<1600xi32, #tpu.memory_space<vmem>> -> memref<80xi32, #tpu.memory_space<vmem>>
    %dma_start3A_64 = arith.constant 0 : i32
    %dma_start3A_65 = arith.constant 0 : i32
    %dma_start3A_66 = tpu.memref_slice %arg2[%dma_start3A_64, %dma_start3A_65] : memref<100000x128xf32, #tpu.memory_space<hbm>> -> memref<100000x128xf32, #tpu.memory_space<hbm>>
    tpu.enqueue_indirect_dma source(%dma_start3A_66 : memref<100000x128xf32, #tpu.memory_space<hbm>>) target(%dma_start3A_61 : memref<80x128xf32, #tpu.memory_space<vmem>>) offsets(%dma_start3A_63 : memref<80xi32, #tpu.memory_space<vmem>>) semaphore(%arg7 : memref<!tpu.dma_semaphore, #tpu.memory_space<semaphore_mem>>)
    %dma_start3A_67 = arith.constant 1 : i32
    %dma_start3A_68 = arith.constant 0 : i32
    %dma_start3A_69 = arith.constant 0 : i32
    %dma_start3A_70 = tpu.memref_slice %arg6[%dma_start3A_67, %dma_start3A_68, %dma_start3A_69] : memref<2x400x128xf32, #tpu.memory_space<vmem>> -> memref<1x400x128xf32, #tpu.memory_space<vmem>>
    %dma_start3A_71 = tpu.memref_squeeze %dma_start3A_70 : memref<1x400x128xf32, #tpu.memory_space<vmem>> -> memref<400x128xf32, #tpu.memory_space<vmem>>
    %dma_start3A_72 = arith.constant 0 : i32
    %dma_start3A_73 = arith.constant 0 : i32
    %dma_start3A_74 = tpu.memref_slice %dma_start3A_71[%dma_start3A_72, %dma_start3A_73] : memref<400x128xf32, #tpu.memory_space<vmem>> -> memref<80x128xf32, #tpu.memory_space<vmem>>
    %dma_start3A_75 = arith.constant 400 : i32
    %dma_start3A_76 = tpu.memref_slice %arg5[%dma_start3A_75] : memref<1600xi32, #tpu.memory_space<vmem>> -> memref<80xi32, #tpu.memory_space<vmem>>
    %dma_start3A_77 = arith.constant 0 : i32
    %dma_start3A_78 = arith.constant 0 : i32
    %dma_start3A_79 = tpu.memref_slice %arg2[%dma_start3A_77, %dma_start3A_78] : memref<100000x128xf32, #tpu.memory_space<hbm>> -> memref<100000x128xf32, #tpu.memory_space<hbm>>
    tpu.enqueue_indirect_dma source(%dma_start3A_79 : memref<100000x128xf32, #tpu.memory_space<hbm>>) target(%dma_start3A_74 : memref<80x128xf32, #tpu.memory_space<vmem>>) offsets(%dma_start3A_76 : memref<80xi32, #tpu.memory_space<vmem>>) semaphore(%arg7 : memref<!tpu.dma_semaphore, #tpu.memory_space<semaphore_mem>>)
    %dma_start3A_80 = arith.constant 1 : i32
    %dma_start3A_81 = arith.constant 0 : i32
    %dma_start3A_82 = arith.constant 0 : i32
    %dma_start3A_83 = tpu.memref_slice %arg6[%dma_start3A_80, %dma_start3A_81, %dma_start3A_82] : memref<2x400x128xf32, #tpu.memory_space<vmem>> -> memref<1x400x128xf32, #tpu.memory_space<vmem>>
    %dma_start3A_84 = tpu.memref_squeeze %dma_start3A_83 : memref<1x400x128xf32, #tpu.memory_space<vmem>> -> memref<400x128xf32, #tpu.memory_space<vmem>>
    %dma_start3A_85 = arith.constant 80 : i32
    %dma_start3A_86 = arith.constant 0 : i32
    %dma_start3A_87 = tpu.memref_slice %dma_start3A_84[%dma_start3A_85, %dma_start3A_86] : memref<400x128xf32, #tpu.memory_space<vmem>> -> memref<80x128xf32, #tpu.memory_space<vmem>>
    %dma_start3A_88 = arith.constant 480 : i32
    %dma_start3A_89 = tpu.memref_slice %arg5[%dma_start3A_88] : memref<1600xi32, #tpu.memory_space<vmem>> -> memref<80xi32, #tpu.memory_space<vmem>>
    %dma_start3A_90 = arith.constant 0 : i32
    %dma_start3A_91 = arith.constant 0 : i32
    %dma_start3A_92 = tpu.memref_slice %arg2[%dma_start3A_90, %dma_start3A_91] : memref<100000x128xf32, #tpu.memory_space<hbm>> -> memref<100000x128xf32, #tpu.memory_space<hbm>>
    tpu.enqueue_indirect_dma source(%dma_start3A_92 : memref<100000x128xf32, #tpu.memory_space<hbm>>) target(%dma_start3A_87 : memref<80x128xf32, #tpu.memory_space<vmem>>) offsets(%dma_start3A_89 : memref<80xi32, #tpu.memory_space<vmem>>) semaphore(%arg7 : memref<!tpu.dma_semaphore, #tpu.memory_space<semaphore_mem>>)
    %dma_start3A_93 = arith.constant 1 : i32
    %dma_start3A_94 = arith.constant 0 : i32
    %dma_start3A_95 = arith.constant 0 : i32
    %dma_start3A_96 = tpu.memref_slice %arg6[%dma_start3A_93, %dma_start3A_94, %dma_start3A_95] : memref<2x400x128xf32, #tpu.memory_space<vmem>> -> memref<1x400x128xf32, #tpu.memory_space<vmem>>
    %dma_start3A_97 = tpu.memref_squeeze %dma_start3A_96 : memref<1x400x128xf32, #tpu.memory_space<vmem>> -> memref<400x128xf32, #tpu.memory_space<vmem>>
    %dma_start3A_98 = arith.constant 160 : i32
    %dma_start3A_99 = arith.constant 0 : i32
    %dma_start3A_100 = tpu.memref_slice %dma_start3A_97[%dma_start3A_98, %dma_start3A_99] : memref<400x128xf32, #tpu.memory_space<vmem>> -> memref<80x128xf32, #tpu.memory_space<vmem>>
    %dma_start3A_101 = arith.constant 560 : i32
    %dma_start3A_102 = tpu.memref_slice %arg5[%dma_start3A_101] : memref<1600xi32, #tpu.memory_space<vmem>> -> memref<80xi32, #tpu.memory_space<vmem>>
    %dma_start3A_103 = arith.constant 0 : i32
    %dma_start3A_104 = arith.constant 0 : i32
    %dma_start3A_105 = tpu.memref_slice %arg2[%dma_start3A_103, %dma_start3A_104] : memref<100000x128xf32, #tpu.memory_space<hbm>> -> memref<100000x128xf32, #tpu.memory_space<hbm>>
    tpu.enqueue_indirect_dma source(%dma_start3A_105 : memref<100000x128xf32, #tpu.memory_space<hbm>>) target(%dma_start3A_100 : memref<80x128xf32, #tpu.memory_space<vmem>>) offsets(%dma_start3A_102 : memref<80xi32, #tpu.memory_space<vmem>>) semaphore(%arg7 : memref<!tpu.dma_semaphore, #tpu.memory_space<semaphore_mem>>)
    %dma_start3A_106 = arith.constant 1 : i32
    %dma_start3A_107 = arith.constant 0 : i32
    %dma_start3A_108 = arith.constant 0 : i32
    %dma_start3A_109 = tpu.memref_slice %arg6[%dma_start3A_106, %dma_start3A_107, %dma_start3A_108] : memref<2x400x128xf32, #tpu.memory_space<vmem>> -> memref<1x400x128xf32, #tpu.memory_space<vmem>>
    %dma_start3A_110 = tpu.memref_squeeze %dma_start3A_109 : memref<1x400x128xf32, #tpu.memory_space<vmem>> -> memref<400x128xf32, #tpu.memory_space<vmem>>
    %dma_start3A_111 = arith.constant 240 : i32
    %dma_start3A_112 = arith.constant 0 : i32
    %dma_start3A_113 = tpu.memref_slice %dma_start3A_110[%dma_start3A_111, %dma_start3A_112] : memref<400x128xf32, #tpu.memory_space<vmem>> -> memref<80x128xf32, #tpu.memory_space<vmem>>
    %dma_start3A_114 = arith.constant 640 : i32
    %dma_start3A_115 = tpu.memref_slice %arg5[%dma_start3A_114] : memref<1600xi32, #tpu.memory_space<vmem>> -> memref<80xi32, #tpu.memory_space<vmem>>
    %dma_start3A_116 = arith.constant 0 : i32
    %dma_start3A_117 = arith.constant 0 : i32
    %dma_start3A_118 = tpu.memref_slice %arg2[%dma_start3A_116, %dma_start3A_117] : memref<100000x128xf32, #tpu.memory_space<hbm>> -> memref<100000x128xf32, #tpu.memory_space<hbm>>
    tpu.enqueue_indirect_dma source(%dma_start3A_118 : memref<100000x128xf32, #tpu.memory_space<hbm>>) target(%dma_start3A_113 : memref<80x128xf32, #tpu.memory_space<vmem>>) offsets(%dma_start3A_115 : memref<80xi32, #tpu.memory_space<vmem>>) semaphore(%arg7 : memref<!tpu.dma_semaphore, #tpu.memory_space<semaphore_mem>>)
    %dma_start3A_119 = arith.constant 1 : i32
    %dma_start3A_120 = arith.constant 0 : i32
    %dma_start3A_121 = arith.constant 0 : i32
    %dma_start3A_122 = tpu.memref_slice %arg6[%dma_start3A_119, %dma_start3A_120, %dma_start3A_121] : memref<2x400x128xf32, #tpu.memory_space<vmem>> -> memref<1x400x128xf32, #tpu.memory_space<vmem>>
    %dma_start3A_123 = tpu.memref_squeeze %dma_start3A_122 : memref<1x400x128xf32, #tpu.memory_space<vmem>> -> memref<400x128xf32, #tpu.memory_space<vmem>>
    %dma_start3A_124 = arith.constant 320 : i32
    %dma_start3A_125 = arith.constant 0 : i32
    %dma_start3A_126 = tpu.memref_slice %dma_start3A_123[%dma_start3A_124, %dma_start3A_125] : memref<400x128xf32, #tpu.memory_space<vmem>> -> memref<80x128xf32, #tpu.memory_space<vmem>>
    %dma_start3A_127 = arith.constant 720 : i32
    %dma_start3A_128 = tpu.memref_slice %arg5[%dma_start3A_127] : memref<1600xi32, #tpu.memory_space<vmem>> -> memref<80xi32, #tpu.memory_space<vmem>>
    %dma_start3A_129 = arith.constant 0 : i32
    %dma_start3A_130 = arith.constant 0 : i32
    %dma_start3A_131 = tpu.memref_slice %arg2[%dma_start3A_129, %dma_start3A_130] : memref<100000x128xf32, #tpu.memory_space<hbm>> -> memref<100000x128xf32, #tpu.memory_space<hbm>>
    tpu.enqueue_indirect_dma source(%dma_start3A_131 : memref<100000x128xf32, #tpu.memory_space<hbm>>) target(%dma_start3A_126 : memref<80x128xf32, #tpu.memory_space<vmem>>) offsets(%dma_start3A_128 : memref<80xi32, #tpu.memory_space<vmem>>) semaphore(%arg7 : memref<!tpu.dma_semaphore, #tpu.memory_space<semaphore_mem>>)
    %dma_wait3A = arith.constant 0 : i32
    %dma_wait3A_132 = arith.constant 0 : i32
    %dma_wait3A_133 = arith.constant 0 : i32
    %dma_wait3A_134 = tpu.memref_slice %arg6[%dma_wait3A, %dma_wait3A_132, %dma_wait3A_133] : memref<2x400x128xf32, #tpu.memory_space<vmem>> -> memref<1x400x128xf32, #tpu.memory_space<vmem>>
    %dma_wait3A_135 = tpu.memref_squeeze %dma_wait3A_134 : memref<1x400x128xf32, #tpu.memory_space<vmem>> -> memref<400x128xf32, #tpu.memory_space<vmem>>
    %dma_wait3A_136 = arith.constant 0 : i32
    %dma_wait3A_137 = arith.constant 0 : i32
    %dma_wait3A_138 = tpu.memref_slice %dma_wait3A_135[%dma_wait3A_136, %dma_wait3A_137] : memref<400x128xf32, #tpu.memory_space<vmem>> -> memref<80x128xf32, #tpu.memory_space<vmem>>
    %dma_wait3A_139 = arith.constant 0 : i32
    %dma_wait3A_140 = tpu.memref_slice %arg5[%dma_wait3A_139] : memref<1600xi32, #tpu.memory_space<vmem>> -> memref<80xi32, #tpu.memory_space<vmem>>
    %dma_wait3A_141 = arith.constant 0 : i32
    %dma_wait3A_142 = arith.constant 0 : i32
    %dma_wait3A_143 = tpu.memref_slice %arg2[%dma_wait3A_141, %dma_wait3A_142] : memref<100000x128xf32, #tpu.memory_space<hbm>> -> memref<100000x128xf32, #tpu.memory_space<hbm>>
    tpu.wait_indirect_dma semaphore(%arg7 : memref<!tpu.dma_semaphore, #tpu.memory_space<semaphore_mem>>) src(%dma_wait3A_143 : memref<100000x128xf32, #tpu.memory_space<hbm>>) dst(%dma_wait3A_138 : memref<80x128xf32, #tpu.memory_space<vmem>>)
    %dma_wait3A_144 = arith.constant 0 : i32
    %dma_wait3A_145 = arith.constant 0 : i32
    %dma_wait3A_146 = arith.constant 0 : i32
    %dma_wait3A_147 = tpu.memref_slice %arg6[%dma_wait3A_144, %dma_wait3A_145, %dma_wait3A_146] : memref<2x400x128xf32, #tpu.memory_space<vmem>> -> memref<1x400x128xf32, #tpu.memory_space<vmem>>
    %dma_wait3A_148 = tpu.memref_squeeze %dma_wait3A_147 : memref<1x400x128xf32, #tpu.memory_space<vmem>> -> memref<400x128xf32, #tpu.memory_space<vmem>>
    %dma_wait3A_149 = arith.constant 80 : i32
    %dma_wait3A_150 = arith.constant 0 : i32
    %dma_wait3A_151 = tpu.memref_slice %dma_wait3A_148[%dma_wait3A_149, %dma_wait3A_150] : memref<400x128xf32, #tpu.memory_space<vmem>> -> memref<80x128xf32, #tpu.memory_space<vmem>>
    %dma_wait3A_152 = arith.constant 80 : i32
    %dma_wait3A_153 = tpu.memref_slice %arg5[%dma_wait3A_152] : memref<1600xi32, #tpu.memory_space<vmem>> -> memref<80xi32, #tpu.memory_space<vmem>>
    %dma_wait3A_154 = arith.constant 0 : i32
    %dma_wait3A_155 = arith.constant 0 : i32
    %dma_wait3A_156 = tpu.memref_slice %arg2[%dma_wait3A_154, %dma_wait3A_155] : memref<100000x128xf32, #tpu.memory_space<hbm>> -> memref<100000x128xf32, #tpu.memory_space<hbm>>
    tpu.wait_indirect_dma semaphore(%arg7 : memref<!tpu.dma_semaphore, #tpu.memory_space<semaphore_mem>>) src(%dma_wait3A_156 : memref<100000x128xf32, #tpu.memory_space<hbm>>) dst(%dma_wait3A_151 : memref<80x128xf32, #tpu.memory_space<vmem>>)
    %dma_wait3A_157 = arith.constant 0 : i32
    %dma_wait3A_158 = arith.constant 0 : i32
    %dma_wait3A_159 = arith.constant 0 : i32
    %dma_wait3A_160 = tpu.memref_slice %arg6[%dma_wait3A_157, %dma_wait3A_158, %dma_wait3A_159] : memref<2x400x128xf32, #tpu.memory_space<vmem>> -> memref<1x400x128xf32, #tpu.memory_space<vmem>>
    %dma_wait3A_161 = tpu.memref_squeeze %dma_wait3A_160 : memref<1x400x128xf32, #tpu.memory_space<vmem>> -> memref<400x128xf32, #tpu.memory_space<vmem>>
    %dma_wait3A_162 = arith.constant 160 : i32
    %dma_wait3A_163 = arith.constant 0 : i32
    %dma_wait3A_164 = tpu.memref_slice %dma_wait3A_161[%dma_wait3A_162, %dma_wait3A_163] : memref<400x128xf32, #tpu.memory_space<vmem>> -> memref<80x128xf32, #tpu.memory_space<vmem>>
    %dma_wait3A_165 = arith.constant 160 : i32
    %dma_wait3A_166 = tpu.memref_slice %arg5[%dma_wait3A_165] : memref<1600xi32, #tpu.memory_space<vmem>> -> memref<80xi32, #tpu.memory_space<vmem>>
    %dma_wait3A_167 = arith.constant 0 : i32
    %dma_wait3A_168 = arith.constant 0 : i32
    %dma_wait3A_169 = tpu.memref_slice %arg2[%dma_wait3A_167, %dma_wait3A_168] : memref<100000x128xf32, #tpu.memory_space<hbm>> -> memref<100000x128xf32, #tpu.memory_space<hbm>>
    tpu.wait_indirect_dma semaphore(%arg7 : memref<!tpu.dma_semaphore, #tpu.memory_space<semaphore_mem>>) src(%dma_wait3A_169 : memref<100000x128xf32, #tpu.memory_space<hbm>>) dst(%dma_wait3A_164 : memref<80x128xf32, #tpu.memory_space<vmem>>)
    %dma_wait3A_170 = arith.constant 0 : i32
    %dma_wait3A_171 = arith.constant 0 : i32
    %dma_wait3A_172 = arith.constant 0 : i32
    %dma_wait3A_173 = tpu.memref_slice %arg6[%dma_wait3A_170, %dma_wait3A_171, %dma_wait3A_172] : memref<2x400x128xf32, #tpu.memory_space<vmem>> -> memref<1x400x128xf32, #tpu.memory_space<vmem>>
    %dma_wait3A_174 = tpu.memref_squeeze %dma_wait3A_173 : memref<1x400x128xf32, #tpu.memory_space<vmem>> -> memref<400x128xf32, #tpu.memory_space<vmem>>
    %dma_wait3A_175 = arith.constant 240 : i32
    %dma_wait3A_176 = arith.constant 0 : i32
    %dma_wait3A_177 = tpu.memref_slice %dma_wait3A_174[%dma_wait3A_175, %dma_wait3A_176] : memref<400x128xf32, #tpu.memory_space<vmem>> -> memref<80x128xf32, #tpu.memory_space<vmem>>
    %dma_wait3A_178 = arith.constant 240 : i32
    %dma_wait3A_179 = tpu.memref_slice %arg5[%dma_wait3A_178] : memref<1600xi32, #tpu.memory_space<vmem>> -> memref<80xi32, #tpu.memory_space<vmem>>
    %dma_wait3A_180 = arith.constant 0 : i32
    %dma_wait3A_181 = arith.constant 0 : i32
    %dma_wait3A_182 = tpu.memref_slice %arg2[%dma_wait3A_180, %dma_wait3A_181] : memref<100000x128xf32, #tpu.memory_space<hbm>> -> memref<100000x128xf32, #tpu.memory_space<hbm>>
    tpu.wait_indirect_dma semaphore(%arg7 : memref<!tpu.dma_semaphore, #tpu.memory_space<semaphore_mem>>) src(%dma_wait3A_182 : memref<100000x128xf32, #tpu.memory_space<hbm>>) dst(%dma_wait3A_177 : memref<80x128xf32, #tpu.memory_space<vmem>>)
    %dma_wait3A_183 = arith.constant 0 : i32
    %dma_wait3A_184 = arith.constant 0 : i32
    %dma_wait3A_185 = arith.constant 0 : i32
    %dma_wait3A_186 = tpu.memref_slice %arg6[%dma_wait3A_183, %dma_wait3A_184, %dma_wait3A_185] : memref<2x400x128xf32, #tpu.memory_space<vmem>> -> memref<1x400x128xf32, #tpu.memory_space<vmem>>
    %dma_wait3A_187 = tpu.memref_squeeze %dma_wait3A_186 : memref<1x400x128xf32, #tpu.memory_space<vmem>> -> memref<400x128xf32, #tpu.memory_space<vmem>>
    %dma_wait3A_188 = arith.constant 320 : i32
    %dma_wait3A_189 = arith.constant 0 : i32
    %dma_wait3A_190 = tpu.memref_slice %dma_wait3A_187[%dma_wait3A_188, %dma_wait3A_189] : memref<400x128xf32, #tpu.memory_space<vmem>> -> memref<80x128xf32, #tpu.memory_space<vmem>>
    %dma_wait3A_191 = arith.constant 320 : i32
    %dma_wait3A_192 = tpu.memref_slice %arg5[%dma_wait3A_191] : memref<1600xi32, #tpu.memory_space<vmem>> -> memref<80xi32, #tpu.memory_space<vmem>>
    %dma_wait3A_193 = arith.constant 0 : i32
    %dma_wait3A_194 = arith.constant 0 : i32
    %dma_wait3A_195 = tpu.memref_slice %arg2[%dma_wait3A_193, %dma_wait3A_194] : memref<100000x128xf32, #tpu.memory_space<hbm>> -> memref<100000x128xf32, #tpu.memory_space<hbm>>
    tpu.wait_indirect_dma semaphore(%arg7 : memref<!tpu.dma_semaphore, #tpu.memory_space<semaphore_mem>>) src(%dma_wait3A_195 : memref<100000x128xf32, #tpu.memory_space<hbm>>) dst(%dma_wait3A_190 : memref<80x128xf32, #tpu.memory_space<vmem>>)
    %add3A_196 = arith.constant 0 : i32
    %add3A_197 = arith.addi %mul3A_2, %add3A_196 : i32
    %dma_start3A_198 = arith.constant 0 : i32
    %dma_start3A_199 = arith.constant 0 : i32
    %dma_start3A_200 = arith.constant 0 : i32
    %dma_start3A_201 = tpu.memref_slice %arg6[%dma_start3A_198, %dma_start3A_199, %dma_start3A_200] : memref<2x400x128xf32, #tpu.memory_space<vmem>> -> memref<1x400x128xf32, #tpu.memory_space<vmem>>
    %dma_start3A_202 = tpu.memref_squeeze %dma_start3A_201 : memref<1x400x128xf32, #tpu.memory_space<vmem>> -> memref<400x128xf32, #tpu.memory_space<vmem>>
    %dma_start3A_203 = arith.constant 0 : i32
    %dma_start3A_204 = arith.constant 0 : i32
    %dma_start3A_205 = tpu.memref_slice %dma_start3A_202[%dma_start3A_203, %dma_start3A_204] : memref<400x128xf32, #tpu.memory_space<vmem>> -> memref<400x128xf32, #tpu.memory_space<vmem>>
    %dma_start3A_206 = arith.constant 0 : i32
    %dma_start3A_207 = tpu.memref_slice %arg4[%add3A_197, %dma_start3A_206] : memref<51200x128xf32, #tpu.memory_space<hbm>> -> memref<400x128xf32, #tpu.memory_space<hbm>>
    %dma_start3A_208 = arith.constant 0 : i32
    %dma_start3A_209 = tpu.memref_slice %arg4[%add3A_197, %dma_start3A_208] : memref<51200x128xf32, #tpu.memory_space<hbm>> -> memref<400x128xf32, #tpu.memory_space<hbm>>
    %dma_start3A_210 = arith.constant 0 : i32
    %dma_start3A_211 = arith.constant 0 : i32
    %dma_start3A_212 = tpu.memref_slice %arg6[%dma_start3A_198, %dma_start3A_210, %dma_start3A_211] : memref<2x400x128xf32, #tpu.memory_space<vmem>> -> memref<1x400x128xf32, #tpu.memory_space<vmem>>
    %dma_start3A_213 = tpu.memref_squeeze %dma_start3A_212 : memref<1x400x128xf32, #tpu.memory_space<vmem>> -> memref<400x128xf32, #tpu.memory_space<vmem>>
    %dma_start3A_214 = arith.constant 0 : i32
    %dma_start3A_215 = arith.constant 0 : i32
    %dma_start3A_216 = tpu.memref_slice %dma_start3A_213[%dma_start3A_214, %dma_start3A_215] : memref<400x128xf32, #tpu.memory_space<vmem>> -> memref<400x128xf32, #tpu.memory_space<vmem>>
    tpu.enqueue_dma source(%dma_start3A_216 : memref<400x128xf32, #tpu.memory_space<vmem>>) target(%dma_start3A_209 : memref<400x128xf32, #tpu.memory_space<hbm>>) target_semaphore(%arg8 : memref<!tpu.dma_semaphore, #tpu.memory_space<semaphore_mem>>)
    %dma_wait3A_217 = arith.constant 0 : i32
    %dma_wait3A_218 = arith.constant 0 : i32
    %dma_wait3A_219 = arith.constant 0 : i32
    %dma_wait3A_220 = tpu.memref_slice %arg6[%dma_wait3A_217, %dma_wait3A_218, %dma_wait3A_219] : memref<2x400x128xf32, #tpu.memory_space<vmem>> -> memref<1x400x128xf32, #tpu.memory_space<vmem>>
    %dma_wait3A_221 = tpu.memref_squeeze %dma_wait3A_220 : memref<1x400x128xf32, #tpu.memory_space<vmem>> -> memref<400x128xf32, #tpu.memory_space<vmem>>
    %dma_wait3A_222 = arith.constant 0 : i32
    %dma_wait3A_223 = arith.constant 0 : i32
    %dma_wait3A_224 = tpu.memref_slice %dma_wait3A_221[%dma_wait3A_222, %dma_wait3A_223] : memref<400x128xf32, #tpu.memory_space<vmem>> -> memref<400x128xf32, #tpu.memory_space<vmem>>
    %dma_wait3A_225 = arith.constant 0 : i32
    %dma_wait3A_226 = tpu.memref_slice %arg4[%add3A_197, %dma_wait3A_225] : memref<51200x128xf32, #tpu.memory_space<hbm>> -> memref<400x128xf32, #tpu.memory_space<hbm>>
    %dma_wait3A_227 = arith.constant 0 : i32
    %dma_wait3A_228 = tpu.memref_slice %arg4[%add3A_197, %dma_wait3A_227] : memref<51200x128xf32, #tpu.memory_space<hbm>> -> memref<400x128xf32, #tpu.memory_space<hbm>>
    %dma_wait3A_229 = arith.constant 0 : i32
    %dma_wait3A_230 = arith.constant 0 : i32
    %dma_wait3A_231 = tpu.memref_slice %arg6[%dma_wait3A_217, %dma_wait3A_229, %dma_wait3A_230] : memref<2x400x128xf32, #tpu.memory_space<vmem>> -> memref<1x400x128xf32, #tpu.memory_space<vmem>>
    %dma_wait3A_232 = tpu.memref_squeeze %dma_wait3A_231 : memref<1x400x128xf32, #tpu.memory_space<vmem>> -> memref<400x128xf32, #tpu.memory_space<vmem>>
    %dma_wait3A_233 = arith.constant 0 : i32
    %dma_wait3A_234 = arith.constant 0 : i32
    %dma_wait3A_235 = tpu.memref_slice %dma_wait3A_232[%dma_wait3A_233, %dma_wait3A_234] : memref<400x128xf32, #tpu.memory_space<vmem>> -> memref<400x128xf32, #tpu.memory_space<vmem>>
    tpu.wait_dma2 semaphore(%arg8 : memref<!tpu.dma_semaphore, #tpu.memory_space<semaphore_mem>>) src(%dma_wait3A_235 : memref<400x128xf32, #tpu.memory_space<vmem>>) dst(%dma_wait3A_228 : memref<400x128xf32, #tpu.memory_space<hbm>>)
    %dma_start3A_236 = arith.constant 0 : i32
    %dma_start3A_237 = arith.constant 0 : i32
    %dma_start3A_238 = arith.constant 0 : i32
    %dma_start3A_239 = tpu.memref_slice %arg6[%dma_start3A_236, %dma_start3A_237, %dma_start3A_238] : memref<2x400x128xf32, #tpu.memory_space<vmem>> -> memref<1x400x128xf32, #tpu.memory_space<vmem>>
    %dma_start3A_240 = tpu.memref_squeeze %dma_start3A_239 : memref<1x400x128xf32, #tpu.memory_space<vmem>> -> memref<400x128xf32, #tpu.memory_space<vmem>>
    %dma_start3A_241 = arith.constant 0 : i32
    %dma_start3A_242 = arith.constant 0 : i32
    %dma_start3A_243 = tpu.memref_slice %dma_start3A_240[%dma_start3A_241, %dma_start3A_242] : memref<400x128xf32, #tpu.memory_space<vmem>> -> memref<80x128xf32, #tpu.memory_space<vmem>>
    %dma_start3A_244 = arith.constant 800 : i32
    %dma_start3A_245 = tpu.memref_slice %arg5[%dma_start3A_244] : memref<1600xi32, #tpu.memory_space<vmem>> -> memref<80xi32, #tpu.memory_space<vmem>>
    %dma_start3A_246 = arith.constant 0 : i32
    %dma_start3A_247 = arith.constant 0 : i32
    %dma_start3A_248 = tpu.memref_slice %arg2[%dma_start3A_246, %dma_start3A_247] : memref<100000x128xf32, #tpu.memory_space<hbm>> -> memref<100000x128xf32, #tpu.memory_space<hbm>>
    tpu.enqueue_indirect_dma source(%dma_start3A_248 : memref<100000x128xf32, #tpu.memory_space<hbm>>) target(%dma_start3A_243 : memref<80x128xf32, #tpu.memory_space<vmem>>) offsets(%dma_start3A_245 : memref<80xi32, #tpu.memory_space<vmem>>) semaphore(%arg7 : memref<!tpu.dma_semaphore, #tpu.memory_space<semaphore_mem>>)
    %dma_start3A_249 = arith.constant 0 : i32
    %dma_start3A_250 = arith.constant 0 : i32
    %dma_start3A_251 = arith.constant 0 : i32
    %dma_start3A_252 = tpu.memref_slice %arg6[%dma_start3A_249, %dma_start3A_250, %dma_start3A_251] : memref<2x400x128xf32, #tpu.memory_space<vmem>> -> memref<1x400x128xf32, #tpu.memory_space<vmem>>
    %dma_start3A_253 = tpu.memref_squeeze %dma_start3A_252 : memref<1x400x128xf32, #tpu.memory_space<vmem>> -> memref<400x128xf32, #tpu.memory_space<vmem>>
    %dma_start3A_254 = arith.constant 80 : i32
    %dma_start3A_255 = arith.constant 0 : i32
    %dma_start3A_256 = tpu.memref_slice %dma_start3A_253[%dma_start3A_254, %dma_start3A_255] : memref<400x128xf32, #tpu.memory_space<vmem>> -> memref<80x128xf32, #tpu.memory_space<vmem>>
    %dma_start3A_257 = arith.constant 880 : i32
    %dma_start3A_258 = tpu.memref_slice %arg5[%dma_start3A_257] : memref<1600xi32, #tpu.memory_space<vmem>> -> memref<80xi32, #tpu.memory_space<vmem>>
    %dma_start3A_259 = arith.constant 0 : i32
    %dma_start3A_260 = arith.constant 0 : i32
    %dma_start3A_261 = tpu.memref_slice %arg2[%dma_start3A_259, %dma_start3A_260] : memref<100000x128xf32, #tpu.memory_space<hbm>> -> memref<100000x128xf32, #tpu.memory_space<hbm>>
    tpu.enqueue_indirect_dma source(%dma_start3A_261 : memref<100000x128xf32, #tpu.memory_space<hbm>>) target(%dma_start3A_256 : memref<80x128xf32, #tpu.memory_space<vmem>>) offsets(%dma_start3A_258 : memref<80xi32, #tpu.memory_space<vmem>>) semaphore(%arg7 : memref<!tpu.dma_semaphore, #tpu.memory_space<semaphore_mem>>)
    %dma_start3A_262 = arith.constant 0 : i32
    %dma_start3A_263 = arith.constant 0 : i32
    %dma_start3A_264 = arith.constant 0 : i32
    %dma_start3A_265 = tpu.memref_slice %arg6[%dma_start3A_262, %dma_start3A_263, %dma_start3A_264] : memref<2x400x128xf32, #tpu.memory_space<vmem>> -> memref<1x400x128xf32, #tpu.memory_space<vmem>>
    %dma_start3A_266 = tpu.memref_squeeze %dma_start3A_265 : memref<1x400x128xf32, #tpu.memory_space<vmem>> -> memref<400x128xf32, #tpu.memory_space<vmem>>
    %dma_start3A_267 = arith.constant 160 : i32
    %dma_start3A_268 = arith.constant 0 : i32
    %dma_start3A_269 = tpu.memref_slice %dma_start3A_266[%dma_start3A_267, %dma_start3A_268] : memref<400x128xf32, #tpu.memory_space<vmem>> -> memref<80x128xf32, #tpu.memory_space<vmem>>
    %dma_start3A_270 = arith.constant 960 : i32
    %dma_start3A_271 = tpu.memref_slice %arg5[%dma_start3A_270] : memref<1600xi32, #tpu.memory_space<vmem>> -> memref<80xi32, #tpu.memory_space<vmem>>
    %dma_start3A_272 = arith.constant 0 : i32
    %dma_start3A_273 = arith.constant 0 : i32
    %dma_start3A_274 = tpu.memref_slice %arg2[%dma_start3A_272, %dma_start3A_273] : memref<100000x128xf32, #tpu.memory_space<hbm>> -> memref<100000x128xf32, #tpu.memory_space<hbm>>
    tpu.enqueue_indirect_dma source(%dma_start3A_274 : memref<100000x128xf32, #tpu.memory_space<hbm>>) target(%dma_start3A_269 : memref<80x128xf32, #tpu.memory_space<vmem>>) offsets(%dma_start3A_271 : memref<80xi32, #tpu.memory_space<vmem>>) semaphore(%arg7 : memref<!tpu.dma_semaphore, #tpu.memory_space<semaphore_mem>>)
    %dma_start3A_275 = arith.constant 0 : i32
    %dma_start3A_276 = arith.constant 0 : i32
    %dma_start3A_277 = arith.constant 0 : i32
    %dma_start3A_278 = tpu.memref_slice %arg6[%dma_start3A_275, %dma_start3A_276, %dma_start3A_277] : memref<2x400x128xf32, #tpu.memory_space<vmem>> -> memref<1x400x128xf32, #tpu.memory_space<vmem>>
    %dma_start3A_279 = tpu.memref_squeeze %dma_start3A_278 : memref<1x400x128xf32, #tpu.memory_space<vmem>> -> memref<400x128xf32, #tpu.memory_space<vmem>>
    %dma_start3A_280 = arith.constant 240 : i32
    %dma_start3A_281 = arith.constant 0 : i32
    %dma_start3A_282 = tpu.memref_slice %dma_start3A_279[%dma_start3A_280, %dma_start3A_281] : memref<400x128xf32, #tpu.memory_space<vmem>> -> memref<80x128xf32, #tpu.memory_space<vmem>>
    %dma_start3A_283 = arith.constant 1040 : i32
    %dma_start3A_284 = tpu.memref_slice %arg5[%dma_start3A_283] : memref<1600xi32, #tpu.memory_space<vmem>> -> memref<80xi32, #tpu.memory_space<vmem>>
    %dma_start3A_285 = arith.constant 0 : i32
    %dma_start3A_286 = arith.constant 0 : i32
    %dma_start3A_287 = tpu.memref_slice %arg2[%dma_start3A_285, %dma_start3A_286] : memref<100000x128xf32, #tpu.memory_space<hbm>> -> memref<100000x128xf32, #tpu.memory_space<hbm>>
    tpu.enqueue_indirect_dma source(%dma_start3A_287 : memref<100000x128xf32, #tpu.memory_space<hbm>>) target(%dma_start3A_282 : memref<80x128xf32, #tpu.memory_space<vmem>>) offsets(%dma_start3A_284 : memref<80xi32, #tpu.memory_space<vmem>>) semaphore(%arg7 : memref<!tpu.dma_semaphore, #tpu.memory_space<semaphore_mem>>)
    %dma_start3A_288 = arith.constant 0 : i32
    %dma_start3A_289 = arith.constant 0 : i32
    %dma_start3A_290 = arith.constant 0 : i32
    %dma_start3A_291 = tpu.memref_slice %arg6[%dma_start3A_288, %dma_start3A_289, %dma_start3A_290] : memref<2x400x128xf32, #tpu.memory_space<vmem>> -> memref<1x400x128xf32, #tpu.memory_space<vmem>>
    %dma_start3A_292 = tpu.memref_squeeze %dma_start3A_291 : memref<1x400x128xf32, #tpu.memory_space<vmem>> -> memref<400x128xf32, #tpu.memory_space<vmem>>
    %dma_start3A_293 = arith.constant 320 : i32
    %dma_start3A_294 = arith.constant 0 : i32
    %dma_start3A_295 = tpu.memref_slice %dma_start3A_292[%dma_start3A_293, %dma_start3A_294] : memref<400x128xf32, #tpu.memory_space<vmem>> -> memref<80x128xf32, #tpu.memory_space<vmem>>
    %dma_start3A_296 = arith.constant 1120 : i32
    %dma_start3A_297 = tpu.memref_slice %arg5[%dma_start3A_296] : memref<1600xi32, #tpu.memory_space<vmem>> -> memref<80xi32, #tpu.memory_space<vmem>>
    %dma_start3A_298 = arith.constant 0 : i32
    %dma_start3A_299 = arith.constant 0 : i32
    %dma_start3A_300 = tpu.memref_slice %arg2[%dma_start3A_298, %dma_start3A_299] : memref<100000x128xf32, #tpu.memory_space<hbm>> -> memref<100000x128xf32, #tpu.memory_space<hbm>>
    tpu.enqueue_indirect_dma source(%dma_start3A_300 : memref<100000x128xf32, #tpu.memory_space<hbm>>) target(%dma_start3A_295 : memref<80x128xf32, #tpu.memory_space<vmem>>) offsets(%dma_start3A_297 : memref<80xi32, #tpu.memory_space<vmem>>) semaphore(%arg7 : memref<!tpu.dma_semaphore, #tpu.memory_space<semaphore_mem>>)
    %dma_wait3A_301 = arith.constant 1 : i32
    %dma_wait3A_302 = arith.constant 0 : i32
    %dma_wait3A_303 = arith.constant 0 : i32
    %dma_wait3A_304 = tpu.memref_slice %arg6[%dma_wait3A_301, %dma_wait3A_302, %dma_wait3A_303] : memref<2x400x128xf32, #tpu.memory_space<vmem>> -> memref<1x400x128xf32, #tpu.memory_space<vmem>>
    %dma_wait3A_305 = tpu.memref_squeeze %dma_wait3A_304 : memref<1x400x128xf32, #tpu.memory_space<vmem>> -> memref<400x128xf32, #tpu.memory_space<vmem>>
    %dma_wait3A_306 = arith.constant 0 : i32
    %dma_wait3A_307 = arith.constant 0 : i32
    %dma_wait3A_308 = tpu.memref_slice %dma_wait3A_305[%dma_wait3A_306, %dma_wait3A_307] : memref<400x128xf32, #tpu.memory_space<vmem>> -> memref<80x128xf32, #tpu.memory_space<vmem>>
    %dma_wait3A_309 = arith.constant 400 : i32
    %dma_wait3A_310 = tpu.memref_slice %arg5[%dma_wait3A_309] : memref<1600xi32, #tpu.memory_space<vmem>> -> memref<80xi32, #tpu.memory_space<vmem>>
    %dma_wait3A_311 = arith.constant 0 : i32
    %dma_wait3A_312 = arith.constant 0 : i32
    %dma_wait3A_313 = tpu.memref_slice %arg2[%dma_wait3A_311, %dma_wait3A_312] : memref<100000x128xf32, #tpu.memory_space<hbm>> -> memref<100000x128xf32, #tpu.memory_space<hbm>>
    tpu.wait_indirect_dma semaphore(%arg7 : memref<!tpu.dma_semaphore, #tpu.memory_space<semaphore_mem>>) src(%dma_wait3A_313 : memref<100000x128xf32, #tpu.memory_space<hbm>>) dst(%dma_wait3A_308 : memref<80x128xf32, #tpu.memory_space<vmem>>)
    %dma_wait3A_314 = arith.constant 1 : i32
    %dma_wait3A_315 = arith.constant 0 : i32
    %dma_wait3A_316 = arith.constant 0 : i32
    %dma_wait3A_317 = tpu.memref_slice %arg6[%dma_wait3A_314, %dma_wait3A_315, %dma_wait3A_316] : memref<2x400x128xf32, #tpu.memory_space<vmem>> -> memref<1x400x128xf32, #tpu.memory_space<vmem>>
    %dma_wait3A_318 = tpu.memref_squeeze %dma_wait3A_317 : memref<1x400x128xf32, #tpu.memory_space<vmem>> -> memref<400x128xf32, #tpu.memory_space<vmem>>
    %dma_wait3A_319 = arith.constant 80 : i32
    %dma_wait3A_320 = arith.constant 0 : i32
    %dma_wait3A_321 = tpu.memref_slice %dma_wait3A_318[%dma_wait3A_319, %dma_wait3A_320] : memref<400x128xf32, #tpu.memory_space<vmem>> -> memref<80x128xf32, #tpu.memory_space<vmem>>
    %dma_wait3A_322 = arith.constant 480 : i32
    %dma_wait3A_323 = tpu.memref_slice %arg5[%dma_wait3A_322] : memref<1600xi32, #tpu.memory_space<vmem>> -> memref<80xi32, #tpu.memory_space<vmem>>
    %dma_wait3A_324 = arith.constant 0 : i32
    %dma_wait3A_325 = arith.constant 0 : i32
    %dma_wait3A_326 = tpu.memref_slice %arg2[%dma_wait3A_324, %dma_wait3A_325] : memref<100000x128xf32, #tpu.memory_space<hbm>> -> memref<100000x128xf32, #tpu.memory_space<hbm>>
    tpu.wait_indirect_dma semaphore(%arg7 : memref<!tpu.dma_semaphore, #tpu.memory_space<semaphore_mem>>) src(%dma_wait3A_326 : memref<100000x128xf32, #tpu.memory_space<hbm>>) dst(%dma_wait3A_321 : memref<80x128xf32, #tpu.memory_space<vmem>>)
    %dma_wait3A_327 = arith.constant 1 : i32
    %dma_wait3A_328 = arith.constant 0 : i32
    %dma_wait3A_329 = arith.constant 0 : i32
    %dma_wait3A_330 = tpu.memref_slice %arg6[%dma_wait3A_327, %dma_wait3A_328, %dma_wait3A_329] : memref<2x400x128xf32, #tpu.memory_space<vmem>> -> memref<1x400x128xf32, #tpu.memory_space<vmem>>
    %dma_wait3A_331 = tpu.memref_squeeze %dma_wait3A_330 : memref<1x400x128xf32, #tpu.memory_space<vmem>> -> memref<400x128xf32, #tpu.memory_space<vmem>>
    %dma_wait3A_332 = arith.constant 160 : i32
    %dma_wait3A_333 = arith.constant 0 : i32
    %dma_wait3A_334 = tpu.memref_slice %dma_wait3A_331[%dma_wait3A_332, %dma_wait3A_333] : memref<400x128xf32, #tpu.memory_space<vmem>> -> memref<80x128xf32, #tpu.memory_space<vmem>>
    %dma_wait3A_335 = arith.constant 560 : i32
    %dma_wait3A_336 = tpu.memref_slice %arg5[%dma_wait3A_335] : memref<1600xi32, #tpu.memory_space<vmem>> -> memref<80xi32, #tpu.memory_space<vmem>>
    %dma_wait3A_337 = arith.constant 0 : i32
    %dma_wait3A_338 = arith.constant 0 : i32
    %dma_wait3A_339 = tpu.memref_slice %arg2[%dma_wait3A_337, %dma_wait3A_338] : memref<100000x128xf32, #tpu.memory_space<hbm>> -> memref<100000x128xf32, #tpu.memory_space<hbm>>
    tpu.wait_indirect_dma semaphore(%arg7 : memref<!tpu.dma_semaphore, #tpu.memory_space<semaphore_mem>>) src(%dma_wait3A_339 : memref<100000x128xf32, #tpu.memory_space<hbm>>) dst(%dma_wait3A_334 : memref<80x128xf32, #tpu.memory_space<vmem>>)
    %dma_wait3A_340 = arith.constant 1 : i32
    %dma_wait3A_341 = arith.constant 0 : i32
    %dma_wait3A_342 = arith.constant 0 : i32
    %dma_wait3A_343 = tpu.memref_slice %arg6[%dma_wait3A_340, %dma_wait3A_341, %dma_wait3A_342] : memref<2x400x128xf32, #tpu.memory_space<vmem>> -> memref<1x400x128xf32, #tpu.memory_space<vmem>>
    %dma_wait3A_344 = tpu.memref_squeeze %dma_wait3A_343 : memref<1x400x128xf32, #tpu.memory_space<vmem>> -> memref<400x128xf32, #tpu.memory_space<vmem>>
    %dma_wait3A_345 = arith.constant 240 : i32
    %dma_wait3A_346 = arith.constant 0 : i32
    %dma_wait3A_347 = tpu.memref_slice %dma_wait3A_344[%dma_wait3A_345, %dma_wait3A_346] : memref<400x128xf32, #tpu.memory_space<vmem>> -> memref<80x128xf32, #tpu.memory_space<vmem>>
    %dma_wait3A_348 = arith.constant 640 : i32
    %dma_wait3A_349 = tpu.memref_slice %arg5[%dma_wait3A_348] : memref<1600xi32, #tpu.memory_space<vmem>> -> memref<80xi32, #tpu.memory_space<vmem>>
    %dma_wait3A_350 = arith.constant 0 : i32
    %dma_wait3A_351 = arith.constant 0 : i32
    %dma_wait3A_352 = tpu.memref_slice %arg2[%dma_wait3A_350, %dma_wait3A_351] : memref<100000x128xf32, #tpu.memory_space<hbm>> -> memref<100000x128xf32, #tpu.memory_space<hbm>>
    tpu.wait_indirect_dma semaphore(%arg7 : memref<!tpu.dma_semaphore, #tpu.memory_space<semaphore_mem>>) src(%dma_wait3A_352 : memref<100000x128xf32, #tpu.memory_space<hbm>>) dst(%dma_wait3A_347 : memref<80x128xf32, #tpu.memory_space<vmem>>)
    %dma_wait3A_353 = arith.constant 1 : i32
    %dma_wait3A_354 = arith.constant 0 : i32
    %dma_wait3A_355 = arith.constant 0 : i32
    %dma_wait3A_356 = tpu.memref_slice %arg6[%dma_wait3A_353, %dma_wait3A_354, %dma_wait3A_355] : memref<2x400x128xf32, #tpu.memory_space<vmem>> -> memref<1x400x128xf32, #tpu.memory_space<vmem>>
    %dma_wait3A_357 = tpu.memref_squeeze %dma_wait3A_356 : memref<1x400x128xf32, #tpu.memory_space<vmem>> -> memref<400x128xf32, #tpu.memory_space<vmem>>
    %dma_wait3A_358 = arith.constant 320 : i32
    %dma_wait3A_359 = arith.constant 0 : i32
    %dma_wait3A_360 = tpu.memref_slice %dma_wait3A_357[%dma_wait3A_358, %dma_wait3A_359] : memref<400x128xf32, #tpu.memory_space<vmem>> -> memref<80x128xf32, #tpu.memory_space<vmem>>
    %dma_wait3A_361 = arith.constant 720 : i32
    %dma_wait3A_362 = tpu.memref_slice %arg5[%dma_wait3A_361] : memref<1600xi32, #tpu.memory_space<vmem>> -> memref<80xi32, #tpu.memory_space<vmem>>
    %dma_wait3A_363 = arith.constant 0 : i32
    %dma_wait3A_364 = arith.constant 0 : i32
    %dma_wait3A_365 = tpu.memref_slice %arg2[%dma_wait3A_363, %dma_wait3A_364] : memref<100000x128xf32, #tpu.memory_space<hbm>> -> memref<100000x128xf32, #tpu.memory_space<hbm>>
    tpu.wait_indirect_dma semaphore(%arg7 : memref<!tpu.dma_semaphore, #tpu.memory_space<semaphore_mem>>) src(%dma_wait3A_365 : memref<100000x128xf32, #tpu.memory_space<hbm>>) dst(%dma_wait3A_360 : memref<80x128xf32, #tpu.memory_space<vmem>>)
    %add3A_366 = arith.constant 400 : i32
    %add3A_367 = arith.addi %mul3A_2, %add3A_366 : i32
    %dma_start3A_368 = arith.constant 1 : i32
    %dma_start3A_369 = arith.constant 0 : i32
    %dma_start3A_370 = arith.constant 0 : i32
    %dma_start3A_371 = tpu.memref_slice %arg6[%dma_start3A_368, %dma_start3A_369, %dma_start3A_370] : memref<2x400x128xf32, #tpu.memory_space<vmem>> -> memref<1x400x128xf32, #tpu.memory_space<vmem>>
    %dma_start3A_372 = tpu.memref_squeeze %dma_start3A_371 : memref<1x400x128xf32, #tpu.memory_space<vmem>> -> memref<400x128xf32, #tpu.memory_space<vmem>>
    %dma_start3A_373 = arith.constant 0 : i32
    %dma_start3A_374 = arith.constant 0 : i32
    %dma_start3A_375 = tpu.memref_slice %dma_start3A_372[%dma_start3A_373, %dma_start3A_374] : memref<400x128xf32, #tpu.memory_space<vmem>> -> memref<400x128xf32, #tpu.memory_space<vmem>>
    %dma_start3A_376 = arith.constant 0 : i32
    %dma_start3A_377 = tpu.memref_slice %arg4[%add3A_367, %dma_start3A_376] : memref<51200x128xf32, #tpu.memory_space<hbm>> -> memref<400x128xf32, #tpu.memory_space<hbm>>
    %dma_start3A_378 = arith.constant 0 : i32
    %dma_start3A_379 = tpu.memref_slice %arg4[%add3A_367, %dma_start3A_378] : memref<51200x128xf32, #tpu.memory_space<hbm>> -> memref<400x128xf32, #tpu.memory_space<hbm>>
    %dma_start3A_380 = arith.constant 0 : i32
    %dma_start3A_381 = arith.constant 0 : i32
    %dma_start3A_382 = tpu.memref_slice %arg6[%dma_start3A_368, %dma_start3A_380, %dma_start3A_381] : memref<2x400x128xf32, #tpu.memory_space<vmem>> -> memref<1x400x128xf32, #tpu.memory_space<vmem>>
    %dma_start3A_383 = tpu.memref_squeeze %dma_start3A_382 : memref<1x400x128xf32, #tpu.memory_space<vmem>> -> memref<400x128xf32, #tpu.memory_space<vmem>>
    %dma_start3A_384 = arith.constant 0 : i32
    %dma_start3A_385 = arith.constant 0 : i32
    %dma_start3A_386 = tpu.memref_slice %dma_start3A_383[%dma_start3A_384, %dma_start3A_385] : memref<400x128xf32, #tpu.memory_space<vmem>> -> memref<400x128xf32, #tpu.memory_space<vmem>>
    tpu.enqueue_dma source(%dma_start3A_386 : memref<400x128xf32, #tpu.memory_space<vmem>>) target(%dma_start3A_379 : memref<400x128xf32, #tpu.memory_space<hbm>>) target_semaphore(%arg8 : memref<!tpu.dma_semaphore, #tpu.memory_space<semaphore_mem>>)
    %dma_wait3A_387 = arith.constant 1 : i32
    %dma_wait3A_388 = arith.constant 0 : i32
    %dma_wait3A_389 = arith.constant 0 : i32
    %dma_wait3A_390 = tpu.memref_slice %arg6[%dma_wait3A_387, %dma_wait3A_388, %dma_wait3A_389] : memref<2x400x128xf32, #tpu.memory_space<vmem>> -> memref<1x400x128xf32, #tpu.memory_space<vmem>>
    %dma_wait3A_391 = tpu.memref_squeeze %dma_wait3A_390 : memref<1x400x128xf32, #tpu.memory_space<vmem>> -> memref<400x128xf32, #tpu.memory_space<vmem>>
    %dma_wait3A_392 = arith.constant 0 : i32
    %dma_wait3A_393 = arith.constant 0 : i32
    %dma_wait3A_394 = tpu.memref_slice %dma_wait3A_391[%dma_wait3A_392, %dma_wait3A_393] : memref<400x128xf32, #tpu.memory_space<vmem>> -> memref<400x128xf32, #tpu.memory_space<vmem>>
    %dma_wait3A_395 = arith.constant 0 : i32
    %dma_wait3A_396 = tpu.memref_slice %arg4[%add3A_367, %dma_wait3A_395] : memref<51200x128xf32, #tpu.memory_space<hbm>> -> memref<400x128xf32, #tpu.memory_space<hbm>>
    %dma_wait3A_397 = arith.constant 0 : i32
    %dma_wait3A_398 = tpu.memref_slice %arg4[%add3A_367, %dma_wait3A_397] : memref<51200x128xf32, #tpu.memory_space<hbm>> -> memref<400x128xf32, #tpu.memory_space<hbm>>
    %dma_wait3A_399 = arith.constant 0 : i32
    %dma_wait3A_400 = arith.constant 0 : i32
    %dma_wait3A_401 = tpu.memref_slice %arg6[%dma_wait3A_387, %dma_wait3A_399, %dma_wait3A_400] : memref<2x400x128xf32, #tpu.memory_space<vmem>> -> memref<1x400x128xf32, #tpu.memory_space<vmem>>
    %dma_wait3A_402 = tpu.memref_squeeze %dma_wait3A_401 : memref<1x400x128xf32, #tpu.memory_space<vmem>> -> memref<400x128xf32, #tpu.memory_space<vmem>>
    %dma_wait3A_403 = arith.constant 0 : i32
    %dma_wait3A_404 = arith.constant 0 : i32
    %dma_wait3A_405 = tpu.memref_slice %dma_wait3A_402[%dma_wait3A_403, %dma_wait3A_404] : memref<400x128xf32, #tpu.memory_space<vmem>> -> memref<400x128xf32, #tpu.memory_space<vmem>>
    tpu.wait_dma2 semaphore(%arg8 : memref<!tpu.dma_semaphore, #tpu.memory_space<semaphore_mem>>) src(%dma_wait3A_405 : memref<400x128xf32, #tpu.memory_space<vmem>>) dst(%dma_wait3A_398 : memref<400x128xf32, #tpu.memory_space<hbm>>)
    %dma_start3A_406 = arith.constant 1 : i32
    %dma_start3A_407 = arith.constant 0 : i32
    %dma_start3A_408 = arith.constant 0 : i32
    %dma_start3A_409 = tpu.memref_slice %arg6[%dma_start3A_406, %dma_start3A_407, %dma_start3A_408] : memref<2x400x128xf32, #tpu.memory_space<vmem>> -> memref<1x400x128xf32, #tpu.memory_space<vmem>>
    %dma_start3A_410 = tpu.memref_squeeze %dma_start3A_409 : memref<1x400x128xf32, #tpu.memory_space<vmem>> -> memref<400x128xf32, #tpu.memory_space<vmem>>
    %dma_start3A_411 = arith.constant 0 : i32
    %dma_start3A_412 = arith.constant 0 : i32
    %dma_start3A_413 = tpu.memref_slice %dma_start3A_410[%dma_start3A_411, %dma_start3A_412] : memref<400x128xf32, #tpu.memory_space<vmem>> -> memref<80x128xf32, #tpu.memory_space<vmem>>
    %dma_start3A_414 = arith.constant 1200 : i32
    %dma_start3A_415 = tpu.memref_slice %arg5[%dma_start3A_414] : memref<1600xi32, #tpu.memory_space<vmem>> -> memref<80xi32, #tpu.memory_space<vmem>>
    %dma_start3A_416 = arith.constant 0 : i32
    %dma_start3A_417 = arith.constant 0 : i32
    %dma_start3A_418 = tpu.memref_slice %arg2[%dma_start3A_416, %dma_start3A_417] : memref<100000x128xf32, #tpu.memory_space<hbm>> -> memref<100000x128xf32, #tpu.memory_space<hbm>>
    tpu.enqueue_indirect_dma source(%dma_start3A_418 : memref<100000x128xf32, #tpu.memory_space<hbm>>) target(%dma_start3A_413 : memref<80x128xf32, #tpu.memory_space<vmem>>) offsets(%dma_start3A_415 : memref<80xi32, #tpu.memory_space<vmem>>) semaphore(%arg7 : memref<!tpu.dma_semaphore, #tpu.memory_space<semaphore_mem>>)
    %dma_start3A_419 = arith.constant 1 : i32
    %dma_start3A_420 = arith.constant 0 : i32
    %dma_start3A_421 = arith.constant 0 : i32
    %dma_start3A_422 = tpu.memref_slice %arg6[%dma_start3A_419, %dma_start3A_420, %dma_start3A_421] : memref<2x400x128xf32, #tpu.memory_space<vmem>> -> memref<1x400x128xf32, #tpu.memory_space<vmem>>
    %dma_start3A_423 = tpu.memref_squeeze %dma_start3A_422 : memref<1x400x128xf32, #tpu.memory_space<vmem>> -> memref<400x128xf32, #tpu.memory_space<vmem>>
    %dma_start3A_424 = arith.constant 80 : i32
    %dma_start3A_425 = arith.constant 0 : i32
    %dma_start3A_426 = tpu.memref_slice %dma_start3A_423[%dma_start3A_424, %dma_start3A_425] : memref<400x128xf32, #tpu.memory_space<vmem>> -> memref<80x128xf32, #tpu.memory_space<vmem>>
    %dma_start3A_427 = arith.constant 1280 : i32
    %dma_start3A_428 = tpu.memref_slice %arg5[%dma_start3A_427] : memref<1600xi32, #tpu.memory_space<vmem>> -> memref<80xi32, #tpu.memory_space<vmem>>
    %dma_start3A_429 = arith.constant 0 : i32
    %dma_start3A_430 = arith.constant 0 : i32
    %dma_start3A_431 = tpu.memref_slice %arg2[%dma_start3A_429, %dma_start3A_430] : memref<100000x128xf32, #tpu.memory_space<hbm>> -> memref<100000x128xf32, #tpu.memory_space<hbm>>
    tpu.enqueue_indirect_dma source(%dma_start3A_431 : memref<100000x128xf32, #tpu.memory_space<hbm>>) target(%dma_start3A_426 : memref<80x128xf32, #tpu.memory_space<vmem>>) offsets(%dma_start3A_428 : memref<80xi32, #tpu.memory_space<vmem>>) semaphore(%arg7 : memref<!tpu.dma_semaphore, #tpu.memory_space<semaphore_mem>>)
    %dma_start3A_432 = arith.constant 1 : i32
    %dma_start3A_433 = arith.constant 0 : i32
    %dma_start3A_434 = arith.constant 0 : i32
    %dma_start3A_435 = tpu.memref_slice %arg6[%dma_start3A_432, %dma_start3A_433, %dma_start3A_434] : memref<2x400x128xf32, #tpu.memory_space<vmem>> -> memref<1x400x128xf32, #tpu.memory_space<vmem>>
    %dma_start3A_436 = tpu.memref_squeeze %dma_start3A_435 : memref<1x400x128xf32, #tpu.memory_space<vmem>> -> memref<400x128xf32, #tpu.memory_space<vmem>>
    %dma_start3A_437 = arith.constant 160 : i32
    %dma_start3A_438 = arith.constant 0 : i32
    %dma_start3A_439 = tpu.memref_slice %dma_start3A_436[%dma_start3A_437, %dma_start3A_438] : memref<400x128xf32, #tpu.memory_space<vmem>> -> memref<80x128xf32, #tpu.memory_space<vmem>>
    %dma_start3A_440 = arith.constant 1360 : i32
    %dma_start3A_441 = tpu.memref_slice %arg5[%dma_start3A_440] : memref<1600xi32, #tpu.memory_space<vmem>> -> memref<80xi32, #tpu.memory_space<vmem>>
    %dma_start3A_442 = arith.constant 0 : i32
    %dma_start3A_443 = arith.constant 0 : i32
    %dma_start3A_444 = tpu.memref_slice %arg2[%dma_start3A_442, %dma_start3A_443] : memref<100000x128xf32, #tpu.memory_space<hbm>> -> memref<100000x128xf32, #tpu.memory_space<hbm>>
    tpu.enqueue_indirect_dma source(%dma_start3A_444 : memref<100000x128xf32, #tpu.memory_space<hbm>>) target(%dma_start3A_439 : memref<80x128xf32, #tpu.memory_space<vmem>>) offsets(%dma_start3A_441 : memref<80xi32, #tpu.memory_space<vmem>>) semaphore(%arg7 : memref<!tpu.dma_semaphore, #tpu.memory_space<semaphore_mem>>)
    %dma_start3A_445 = arith.constant 1 : i32
    %dma_start3A_446 = arith.constant 0 : i32
    %dma_start3A_447 = arith.constant 0 : i32
    %dma_start3A_448 = tpu.memref_slice %arg6[%dma_start3A_445, %dma_start3A_446, %dma_start3A_447] : memref<2x400x128xf32, #tpu.memory_space<vmem>> -> memref<1x400x128xf32, #tpu.memory_space<vmem>>
    %dma_start3A_449 = tpu.memref_squeeze %dma_start3A_448 : memref<1x400x128xf32, #tpu.memory_space<vmem>> -> memref<400x128xf32, #tpu.memory_space<vmem>>
    %dma_start3A_450 = arith.constant 240 : i32
    %dma_start3A_451 = arith.constant 0 : i32
    %dma_start3A_452 = tpu.memref_slice %dma_start3A_449[%dma_start3A_450, %dma_start3A_451] : memref<400x128xf32, #tpu.memory_space<vmem>> -> memref<80x128xf32, #tpu.memory_space<vmem>>
    %dma_start3A_453 = arith.constant 1440 : i32
    %dma_start3A_454 = tpu.memref_slice %arg5[%dma_start3A_453] : memref<1600xi32, #tpu.memory_space<vmem>> -> memref<80xi32, #tpu.memory_space<vmem>>
    %dma_start3A_455 = arith.constant 0 : i32
    %dma_start3A_456 = arith.constant 0 : i32
    %dma_start3A_457 = tpu.memref_slice %arg2[%dma_start3A_455, %dma_start3A_456] : memref<100000x128xf32, #tpu.memory_space<hbm>> -> memref<100000x128xf32, #tpu.memory_space<hbm>>
    tpu.enqueue_indirect_dma source(%dma_start3A_457 : memref<100000x128xf32, #tpu.memory_space<hbm>>) target(%dma_start3A_452 : memref<80x128xf32, #tpu.memory_space<vmem>>) offsets(%dma_start3A_454 : memref<80xi32, #tpu.memory_space<vmem>>) semaphore(%arg7 : memref<!tpu.dma_semaphore, #tpu.memory_space<semaphore_mem>>)
    %dma_start3A_458 = arith.constant 1 : i32
    %dma_start3A_459 = arith.constant 0 : i32
    %dma_start3A_460 = arith.constant 0 : i32
    %dma_start3A_461 = tpu.memref_slice %arg6[%dma_start3A_458, %dma_start3A_459, %dma_start3A_460] : memref<2x400x128xf32, #tpu.memory_space<vmem>> -> memref<1x400x128xf32, #tpu.memory_space<vmem>>
    %dma_start3A_462 = tpu.memref_squeeze %dma_start3A_461 : memref<1x400x128xf32, #tpu.memory_space<vmem>> -> memref<400x128xf32, #tpu.memory_space<vmem>>
    %dma_start3A_463 = arith.constant 320 : i32
    %dma_start3A_464 = arith.constant 0 : i32
    %dma_start3A_465 = tpu.memref_slice %dma_start3A_462[%dma_start3A_463, %dma_start3A_464] : memref<400x128xf32, #tpu.memory_space<vmem>> -> memref<80x128xf32, #tpu.memory_space<vmem>>
    %dma_start3A_466 = arith.constant 1520 : i32
    %dma_start3A_467 = tpu.memref_slice %arg5[%dma_start3A_466] : memref<1600xi32, #tpu.memory_space<vmem>> -> memref<80xi32, #tpu.memory_space<vmem>>
    %dma_start3A_468 = arith.constant 0 : i32
    %dma_start3A_469 = arith.constant 0 : i32
    %dma_start3A_470 = tpu.memref_slice %arg2[%dma_start3A_468, %dma_start3A_469] : memref<100000x128xf32, #tpu.memory_space<hbm>> -> memref<100000x128xf32, #tpu.memory_space<hbm>>
    tpu.enqueue_indirect_dma source(%dma_start3A_470 : memref<100000x128xf32, #tpu.memory_space<hbm>>) target(%dma_start3A_465 : memref<80x128xf32, #tpu.memory_space<vmem>>) offsets(%dma_start3A_467 : memref<80xi32, #tpu.memory_space<vmem>>) semaphore(%arg7 : memref<!tpu.dma_semaphore, #tpu.memory_space<semaphore_mem>>)
    %dma_wait3A_471 = arith.constant 0 : i32
    %dma_wait3A_472 = arith.constant 0 : i32
    %dma_wait3A_473 = arith.constant 0 : i32
    %dma_wait3A_474 = tpu.memref_slice %arg6[%dma_wait3A_471, %dma_wait3A_472, %dma_wait3A_473] : memref<2x400x128xf32, #tpu.memory_space<vmem>> -> memref<1x400x128xf32, #tpu.memory_space<vmem>>
    %dma_wait3A_475 = tpu.memref_squeeze %dma_wait3A_474 : memref<1x400x128xf32, #tpu.memory_space<vmem>> -> memref<400x128xf32, #tpu.memory_space<vmem>>
    %dma_wait3A_476 = arith.constant 0 : i32
    %dma_wait3A_477 = arith.constant 0 : i32
    %dma_wait3A_478 = tpu.memref_slice %dma_wait3A_475[%dma_wait3A_476, %dma_wait3A_477] : memref<400x128xf32, #tpu.memory_space<vmem>> -> memref<80x128xf32, #tpu.memory_space<vmem>>
    %dma_wait3A_479 = arith.constant 800 : i32
    %dma_wait3A_480 = tpu.memref_slice %arg5[%dma_wait3A_479] : memref<1600xi32, #tpu.memory_space<vmem>> -> memref<80xi32, #tpu.memory_space<vmem>>
    %dma_wait3A_481 = arith.constant 0 : i32
    %dma_wait3A_482 = arith.constant 0 : i32
    %dma_wait3A_483 = tpu.memref_slice %arg2[%dma_wait3A_481, %dma_wait3A_482] : memref<100000x128xf32, #tpu.memory_space<hbm>> -> memref<100000x128xf32, #tpu.memory_space<hbm>>
    tpu.wait_indirect_dma semaphore(%arg7 : memref<!tpu.dma_semaphore, #tpu.memory_space<semaphore_mem>>) src(%dma_wait3A_483 : memref<100000x128xf32, #tpu.memory_space<hbm>>) dst(%dma_wait3A_478 : memref<80x128xf32, #tpu.memory_space<vmem>>)
    %dma_wait3A_484 = arith.constant 0 : i32
    %dma_wait3A_485 = arith.constant 0 : i32
    %dma_wait3A_486 = arith.constant 0 : i32
    %dma_wait3A_487 = tpu.memref_slice %arg6[%dma_wait3A_484, %dma_wait3A_485, %dma_wait3A_486] : memref<2x400x128xf32, #tpu.memory_space<vmem>> -> memref<1x400x128xf32, #tpu.memory_space<vmem>>
    %dma_wait3A_488 = tpu.memref_squeeze %dma_wait3A_487 : memref<1x400x128xf32, #tpu.memory_space<vmem>> -> memref<400x128xf32, #tpu.memory_space<vmem>>
    %dma_wait3A_489 = arith.constant 80 : i32
    %dma_wait3A_490 = arith.constant 0 : i32
    %dma_wait3A_491 = tpu.memref_slice %dma_wait3A_488[%dma_wait3A_489, %dma_wait3A_490] : memref<400x128xf32, #tpu.memory_space<vmem>> -> memref<80x128xf32, #tpu.memory_space<vmem>>
    %dma_wait3A_492 = arith.constant 880 : i32
    %dma_wait3A_493 = tpu.memref_slice %arg5[%dma_wait3A_492] : memref<1600xi32, #tpu.memory_space<vmem>> -> memref<80xi32, #tpu.memory_space<vmem>>
    %dma_wait3A_494 = arith.constant 0 : i32
    %dma_wait3A_495 = arith.constant 0 : i32
    %dma_wait3A_496 = tpu.memref_slice %arg2[%dma_wait3A_494, %dma_wait3A_495] : memref<100000x128xf32, #tpu.memory_space<hbm>> -> memref<100000x128xf32, #tpu.memory_space<hbm>>
    tpu.wait_indirect_dma semaphore(%arg7 : memref<!tpu.dma_semaphore, #tpu.memory_space<semaphore_mem>>) src(%dma_wait3A_496 : memref<100000x128xf32, #tpu.memory_space<hbm>>) dst(%dma_wait3A_491 : memref<80x128xf32, #tpu.memory_space<vmem>>)
    %dma_wait3A_497 = arith.constant 0 : i32
    %dma_wait3A_498 = arith.constant 0 : i32
    %dma_wait3A_499 = arith.constant 0 : i32
    %dma_wait3A_500 = tpu.memref_slice %arg6[%dma_wait3A_497, %dma_wait3A_498, %dma_wait3A_499] : memref<2x400x128xf32, #tpu.memory_space<vmem>> -> memref<1x400x128xf32, #tpu.memory_space<vmem>>
    %dma_wait3A_501 = tpu.memref_squeeze %dma_wait3A_500 : memref<1x400x128xf32, #tpu.memory_space<vmem>> -> memref<400x128xf32, #tpu.memory_space<vmem>>
    %dma_wait3A_502 = arith.constant 160 : i32
    %dma_wait3A_503 = arith.constant 0 : i32
    %dma_wait3A_504 = tpu.memref_slice %dma_wait3A_501[%dma_wait3A_502, %dma_wait3A_503] : memref<400x128xf32, #tpu.memory_space<vmem>> -> memref<80x128xf32, #tpu.memory_space<vmem>>
    %dma_wait3A_505 = arith.constant 960 : i32
    %dma_wait3A_506 = tpu.memref_slice %arg5[%dma_wait3A_505] : memref<1600xi32, #tpu.memory_space<vmem>> -> memref<80xi32, #tpu.memory_space<vmem>>
    %dma_wait3A_507 = arith.constant 0 : i32
    %dma_wait3A_508 = arith.constant 0 : i32
    %dma_wait3A_509 = tpu.memref_slice %arg2[%dma_wait3A_507, %dma_wait3A_508] : memref<100000x128xf32, #tpu.memory_space<hbm>> -> memref<100000x128xf32, #tpu.memory_space<hbm>>
    tpu.wait_indirect_dma semaphore(%arg7 : memref<!tpu.dma_semaphore, #tpu.memory_space<semaphore_mem>>) src(%dma_wait3A_509 : memref<100000x128xf32, #tpu.memory_space<hbm>>) dst(%dma_wait3A_504 : memref<80x128xf32, #tpu.memory_space<vmem>>)
    %dma_wait3A_510 = arith.constant 0 : i32
    %dma_wait3A_511 = arith.constant 0 : i32
    %dma_wait3A_512 = arith.constant 0 : i32
    %dma_wait3A_513 = tpu.memref_slice %arg6[%dma_wait3A_510, %dma_wait3A_511, %dma_wait3A_512] : memref<2x400x128xf32, #tpu.memory_space<vmem>> -> memref<1x400x128xf32, #tpu.memory_space<vmem>>
    %dma_wait3A_514 = tpu.memref_squeeze %dma_wait3A_513 : memref<1x400x128xf32, #tpu.memory_space<vmem>> -> memref<400x128xf32, #tpu.memory_space<vmem>>
    %dma_wait3A_515 = arith.constant 240 : i32
    %dma_wait3A_516 = arith.constant 0 : i32
    %dma_wait3A_517 = tpu.memref_slice %dma_wait3A_514[%dma_wait3A_515, %dma_wait3A_516] : memref<400x128xf32, #tpu.memory_space<vmem>> -> memref<80x128xf32, #tpu.memory_space<vmem>>
    %dma_wait3A_518 = arith.constant 1040 : i32
    %dma_wait3A_519 = tpu.memref_slice %arg5[%dma_wait3A_518] : memref<1600xi32, #tpu.memory_space<vmem>> -> memref<80xi32, #tpu.memory_space<vmem>>
    %dma_wait3A_520 = arith.constant 0 : i32
    %dma_wait3A_521 = arith.constant 0 : i32
    %dma_wait3A_522 = tpu.memref_slice %arg2[%dma_wait3A_520, %dma_wait3A_521] : memref<100000x128xf32, #tpu.memory_space<hbm>> -> memref<100000x128xf32, #tpu.memory_space<hbm>>
    tpu.wait_indirect_dma semaphore(%arg7 : memref<!tpu.dma_semaphore, #tpu.memory_space<semaphore_mem>>) src(%dma_wait3A_522 : memref<100000x128xf32, #tpu.memory_space<hbm>>) dst(%dma_wait3A_517 : memref<80x128xf32, #tpu.memory_space<vmem>>)
    %dma_wait3A_523 = arith.constant 0 : i32
    %dma_wait3A_524 = arith.constant 0 : i32
    %dma_wait3A_525 = arith.constant 0 : i32
    %dma_wait3A_526 = tpu.memref_slice %arg6[%dma_wait3A_523, %dma_wait3A_524, %dma_wait3A_525] : memref<2x400x128xf32, #tpu.memory_space<vmem>> -> memref<1x400x128xf32, #tpu.memory_space<vmem>>
    %dma_wait3A_527 = tpu.memref_squeeze %dma_wait3A_526 : memref<1x400x128xf32, #tpu.memory_space<vmem>> -> memref<400x128xf32, #tpu.memory_space<vmem>>
    %dma_wait3A_528 = arith.constant 320 : i32
    %dma_wait3A_529 = arith.constant 0 : i32
    %dma_wait3A_530 = tpu.memref_slice %dma_wait3A_527[%dma_wait3A_528, %dma_wait3A_529] : memref<400x128xf32, #tpu.memory_space<vmem>> -> memref<80x128xf32, #tpu.memory_space<vmem>>
    %dma_wait3A_531 = arith.constant 1120 : i32
    %dma_wait3A_532 = tpu.memref_slice %arg5[%dma_wait3A_531] : memref<1600xi32, #tpu.memory_space<vmem>> -> memref<80xi32, #tpu.memory_space<vmem>>
    %dma_wait3A_533 = arith.constant 0 : i32
    %dma_wait3A_534 = arith.constant 0 : i32
    %dma_wait3A_535 = tpu.memref_slice %arg2[%dma_wait3A_533, %dma_wait3A_534] : memref<100000x128xf32, #tpu.memory_space<hbm>> -> memref<100000x128xf32, #tpu.memory_space<hbm>>
    tpu.wait_indirect_dma semaphore(%arg7 : memref<!tpu.dma_semaphore, #tpu.memory_space<semaphore_mem>>) src(%dma_wait3A_535 : memref<100000x128xf32, #tpu.memory_space<hbm>>) dst(%dma_wait3A_530 : memref<80x128xf32, #tpu.memory_space<vmem>>)
    %add3A_536 = arith.constant 800 : i32
    %add3A_537 = arith.addi %mul3A_2, %add3A_536 : i32
    %dma_start3A_538 = arith.constant 0 : i32
    %dma_start3A_539 = arith.constant 0 : i32
    %dma_start3A_540 = arith.constant 0 : i32
    %dma_start3A_541 = tpu.memref_slice %arg6[%dma_start3A_538, %dma_start3A_539, %dma_start3A_540] : memref<2x400x128xf32, #tpu.memory_space<vmem>> -> memref<1x400x128xf32, #tpu.memory_space<vmem>>
    %dma_start3A_542 = tpu.memref_squeeze %dma_start3A_541 : memref<1x400x128xf32, #tpu.memory_space<vmem>> -> memref<400x128xf32, #tpu.memory_space<vmem>>
    %dma_start3A_543 = arith.constant 0 : i32
    %dma_start3A_544 = arith.constant 0 : i32
    %dma_start3A_545 = tpu.memref_slice %dma_start3A_542[%dma_start3A_543, %dma_start3A_544] : memref<400x128xf32, #tpu.memory_space<vmem>> -> memref<400x128xf32, #tpu.memory_space<vmem>>
    %dma_start3A_546 = arith.constant 0 : i32
    %dma_start3A_547 = tpu.memref_slice %arg4[%add3A_537, %dma_start3A_546] : memref<51200x128xf32, #tpu.memory_space<hbm>> -> memref<400x128xf32, #tpu.memory_space<hbm>>
    %dma_start3A_548 = arith.constant 0 : i32
    %dma_start3A_549 = tpu.memref_slice %arg4[%add3A_537, %dma_start3A_548] : memref<51200x128xf32, #tpu.memory_space<hbm>> -> memref<400x128xf32, #tpu.memory_space<hbm>>
    %dma_start3A_550 = arith.constant 0 : i32
    %dma_start3A_551 = arith.constant 0 : i32
    %dma_start3A_552 = tpu.memref_slice %arg6[%dma_start3A_538, %dma_start3A_550, %dma_start3A_551] : memref<2x400x128xf32, #tpu.memory_space<vmem>> -> memref<1x400x128xf32, #tpu.memory_space<vmem>>
    %dma_start3A_553 = tpu.memref_squeeze %dma_start3A_552 : memref<1x400x128xf32, #tpu.memory_space<vmem>> -> memref<400x128xf32, #tpu.memory_space<vmem>>
    %dma_start3A_554 = arith.constant 0 : i32
    %dma_start3A_555 = arith.constant 0 : i32
    %dma_start3A_556 = tpu.memref_slice %dma_start3A_553[%dma_start3A_554, %dma_start3A_555] : memref<400x128xf32, #tpu.memory_space<vmem>> -> memref<400x128xf32, #tpu.memory_space<vmem>>
    tpu.enqueue_dma source(%dma_start3A_556 : memref<400x128xf32, #tpu.memory_space<vmem>>) target(%dma_start3A_549 : memref<400x128xf32, #tpu.memory_space<hbm>>) target_semaphore(%arg8 : memref<!tpu.dma_semaphore, #tpu.memory_space<semaphore_mem>>)
    %dma_wait3A_557 = arith.constant 1 : i32
    %dma_wait3A_558 = arith.constant 0 : i32
    %dma_wait3A_559 = arith.constant 0 : i32
    %dma_wait3A_560 = tpu.memref_slice %arg6[%dma_wait3A_557, %dma_wait3A_558, %dma_wait3A_559] : memref<2x400x128xf32, #tpu.memory_space<vmem>> -> memref<1x400x128xf32, #tpu.memory_space<vmem>>
    %dma_wait3A_561 = tpu.memref_squeeze %dma_wait3A_560 : memref<1x400x128xf32, #tpu.memory_space<vmem>> -> memref<400x128xf32, #tpu.memory_space<vmem>>
    %dma_wait3A_562 = arith.constant 0 : i32
    %dma_wait3A_563 = arith.constant 0 : i32
    %dma_wait3A_564 = tpu.memref_slice %dma_wait3A_561[%dma_wait3A_562, %dma_wait3A_563] : memref<400x128xf32, #tpu.memory_space<vmem>> -> memref<80x128xf32, #tpu.memory_space<vmem>>
    %dma_wait3A_565 = arith.constant 1200 : i32
    %dma_wait3A_566 = tpu.memref_slice %arg5[%dma_wait3A_565] : memref<1600xi32, #tpu.memory_space<vmem>> -> memref<80xi32, #tpu.memory_space<vmem>>
    %dma_wait3A_567 = arith.constant 0 : i32
    %dma_wait3A_568 = arith.constant 0 : i32
    %dma_wait3A_569 = tpu.memref_slice %arg2[%dma_wait3A_567, %dma_wait3A_568] : memref<100000x128xf32, #tpu.memory_space<hbm>> -> memref<100000x128xf32, #tpu.memory_space<hbm>>
    tpu.wait_indirect_dma semaphore(%arg7 : memref<!tpu.dma_semaphore, #tpu.memory_space<semaphore_mem>>) src(%dma_wait3A_569 : memref<100000x128xf32, #tpu.memory_space<hbm>>) dst(%dma_wait3A_564 : memref<80x128xf32, #tpu.memory_space<vmem>>)
    %dma_wait3A_570 = arith.constant 1 : i32
    %dma_wait3A_571 = arith.constant 0 : i32
    %dma_wait3A_572 = arith.constant 0 : i32
    %dma_wait3A_573 = tpu.memref_slice %arg6[%dma_wait3A_570, %dma_wait3A_571, %dma_wait3A_572] : memref<2x400x128xf32, #tpu.memory_space<vmem>> -> memref<1x400x128xf32, #tpu.memory_space<vmem>>
    %dma_wait3A_574 = tpu.memref_squeeze %dma_wait3A_573 : memref<1x400x128xf32, #tpu.memory_space<vmem>> -> memref<400x128xf32, #tpu.memory_space<vmem>>
    %dma_wait3A_575 = arith.constant 80 : i32
    %dma_wait3A_576 = arith.constant 0 : i32
    %dma_wait3A_577 = tpu.memref_slice %dma_wait3A_574[%dma_wait3A_575, %dma_wait3A_576] : memref<400x128xf32, #tpu.memory_space<vmem>> -> memref<80x128xf32, #tpu.memory_space<vmem>>
    %dma_wait3A_578 = arith.constant 1280 : i32
    %dma_wait3A_579 = tpu.memref_slice %arg5[%dma_wait3A_578] : memref<1600xi32, #tpu.memory_space<vmem>> -> memref<80xi32, #tpu.memory_space<vmem>>
    %dma_wait3A_580 = arith.constant 0 : i32
    %dma_wait3A_581 = arith.constant 0 : i32
    %dma_wait3A_582 = tpu.memref_slice %arg2[%dma_wait3A_580, %dma_wait3A_581] : memref<100000x128xf32, #tpu.memory_space<hbm>> -> memref<100000x128xf32, #tpu.memory_space<hbm>>
    tpu.wait_indirect_dma semaphore(%arg7 : memref<!tpu.dma_semaphore, #tpu.memory_space<semaphore_mem>>) src(%dma_wait3A_582 : memref<100000x128xf32, #tpu.memory_space<hbm>>) dst(%dma_wait3A_577 : memref<80x128xf32, #tpu.memory_space<vmem>>)
    %dma_wait3A_583 = arith.constant 1 : i32
    %dma_wait3A_584 = arith.constant 0 : i32
    %dma_wait3A_585 = arith.constant 0 : i32
    %dma_wait3A_586 = tpu.memref_slice %arg6[%dma_wait3A_583, %dma_wait3A_584, %dma_wait3A_585] : memref<2x400x128xf32, #tpu.memory_space<vmem>> -> memref<1x400x128xf32, #tpu.memory_space<vmem>>
    %dma_wait3A_587 = tpu.memref_squeeze %dma_wait3A_586 : memref<1x400x128xf32, #tpu.memory_space<vmem>> -> memref<400x128xf32, #tpu.memory_space<vmem>>
    %dma_wait3A_588 = arith.constant 160 : i32
    %dma_wait3A_589 = arith.constant 0 : i32
    %dma_wait3A_590 = tpu.memref_slice %dma_wait3A_587[%dma_wait3A_588, %dma_wait3A_589] : memref<400x128xf32, #tpu.memory_space<vmem>> -> memref<80x128xf32, #tpu.memory_space<vmem>>
    %dma_wait3A_591 = arith.constant 1360 : i32
    %dma_wait3A_592 = tpu.memref_slice %arg5[%dma_wait3A_591] : memref<1600xi32, #tpu.memory_space<vmem>> -> memref<80xi32, #tpu.memory_space<vmem>>
    %dma_wait3A_593 = arith.constant 0 : i32
    %dma_wait3A_594 = arith.constant 0 : i32
    %dma_wait3A_595 = tpu.memref_slice %arg2[%dma_wait3A_593, %dma_wait3A_594] : memref<100000x128xf32, #tpu.memory_space<hbm>> -> memref<100000x128xf32, #tpu.memory_space<hbm>>
    tpu.wait_indirect_dma semaphore(%arg7 : memref<!tpu.dma_semaphore, #tpu.memory_space<semaphore_mem>>) src(%dma_wait3A_595 : memref<100000x128xf32, #tpu.memory_space<hbm>>) dst(%dma_wait3A_590 : memref<80x128xf32, #tpu.memory_space<vmem>>)
    %dma_wait3A_596 = arith.constant 1 : i32
    %dma_wait3A_597 = arith.constant 0 : i32
    %dma_wait3A_598 = arith.constant 0 : i32
    %dma_wait3A_599 = tpu.memref_slice %arg6[%dma_wait3A_596, %dma_wait3A_597, %dma_wait3A_598] : memref<2x400x128xf32, #tpu.memory_space<vmem>> -> memref<1x400x128xf32, #tpu.memory_space<vmem>>
    %dma_wait3A_600 = tpu.memref_squeeze %dma_wait3A_599 : memref<1x400x128xf32, #tpu.memory_space<vmem>> -> memref<400x128xf32, #tpu.memory_space<vmem>>
    %dma_wait3A_601 = arith.constant 240 : i32
    %dma_wait3A_602 = arith.constant 0 : i32
    %dma_wait3A_603 = tpu.memref_slice %dma_wait3A_600[%dma_wait3A_601, %dma_wait3A_602] : memref<400x128xf32, #tpu.memory_space<vmem>> -> memref<80x128xf32, #tpu.memory_space<vmem>>
    %dma_wait3A_604 = arith.constant 1440 : i32
    %dma_wait3A_605 = tpu.memref_slice %arg5[%dma_wait3A_604] : memref<1600xi32, #tpu.memory_space<vmem>> -> memref<80xi32, #tpu.memory_space<vmem>>
    %dma_wait3A_606 = arith.constant 0 : i32
    %dma_wait3A_607 = arith.constant 0 : i32
    %dma_wait3A_608 = tpu.memref_slice %arg2[%dma_wait3A_606, %dma_wait3A_607] : memref<100000x128xf32, #tpu.memory_space<hbm>> -> memref<100000x128xf32, #tpu.memory_space<hbm>>
    tpu.wait_indirect_dma semaphore(%arg7 : memref<!tpu.dma_semaphore, #tpu.memory_space<semaphore_mem>>) src(%dma_wait3A_608 : memref<100000x128xf32, #tpu.memory_space<hbm>>) dst(%dma_wait3A_603 : memref<80x128xf32, #tpu.memory_space<vmem>>)
    %dma_wait3A_609 = arith.constant 1 : i32
    %dma_wait3A_610 = arith.constant 0 : i32
    %dma_wait3A_611 = arith.constant 0 : i32
    %dma_wait3A_612 = tpu.memref_slice %arg6[%dma_wait3A_609, %dma_wait3A_610, %dma_wait3A_611] : memref<2x400x128xf32, #tpu.memory_space<vmem>> -> memref<1x400x128xf32, #tpu.memory_space<vmem>>
    %dma_wait3A_613 = tpu.memref_squeeze %dma_wait3A_612 : memref<1x400x128xf32, #tpu.memory_space<vmem>> -> memref<400x128xf32, #tpu.memory_space<vmem>>
    %dma_wait3A_614 = arith.constant 320 : i32
    %dma_wait3A_615 = arith.constant 0 : i32
    %dma_wait3A_616 = tpu.memref_slice %dma_wait3A_613[%dma_wait3A_614, %dma_wait3A_615] : memref<400x128xf32, #tpu.memory_space<vmem>> -> memref<80x128xf32, #tpu.memory_space<vmem>>
    %dma_wait3A_617 = arith.constant 1520 : i32
    %dma_wait3A_618 = tpu.memref_slice %arg5[%dma_wait3A_617] : memref<1600xi32, #tpu.memory_space<vmem>> -> memref<80xi32, #tpu.memory_space<vmem>>
    %dma_wait3A_619 = arith.constant 0 : i32
    %dma_wait3A_620 = arith.constant 0 : i32
    %dma_wait3A_621 = tpu.memref_slice %arg2[%dma_wait3A_619, %dma_wait3A_620] : memref<100000x128xf32, #tpu.memory_space<hbm>> -> memref<100000x128xf32, #tpu.memory_space<hbm>>
    tpu.wait_indirect_dma semaphore(%arg7 : memref<!tpu.dma_semaphore, #tpu.memory_space<semaphore_mem>>) src(%dma_wait3A_621 : memref<100000x128xf32, #tpu.memory_space<hbm>>) dst(%dma_wait3A_616 : memref<80x128xf32, #tpu.memory_space<vmem>>)
    %add3A_622 = arith.constant 1200 : i32
    %add3A_623 = arith.addi %mul3A_2, %add3A_622 : i32
    %dma_start3A_624 = arith.constant 1 : i32
    %dma_start3A_625 = arith.constant 0 : i32
    %dma_start3A_626 = arith.constant 0 : i32
    %dma_start3A_627 = tpu.memref_slice %arg6[%dma_start3A_624, %dma_start3A_625, %dma_start3A_626] : memref<2x400x128xf32, #tpu.memory_space<vmem>> -> memref<1x400x128xf32, #tpu.memory_space<vmem>>
    %dma_start3A_628 = tpu.memref_squeeze %dma_start3A_627 : memref<1x400x128xf32, #tpu.memory_space<vmem>> -> memref<400x128xf32, #tpu.memory_space<vmem>>
    %dma_start3A_629 = arith.constant 0 : i32
    %dma_start3A_630 = arith.constant 0 : i32
    %dma_start3A_631 = tpu.memref_slice %dma_start3A_628[%dma_start3A_629, %dma_start3A_630] : memref<400x128xf32, #tpu.memory_space<vmem>> -> memref<400x128xf32, #tpu.memory_space<vmem>>
    %dma_start3A_632 = arith.constant 0 : i32
    %dma_start3A_633 = tpu.memref_slice %arg4[%add3A_623, %dma_start3A_632] : memref<51200x128xf32, #tpu.memory_space<hbm>> -> memref<400x128xf32, #tpu.memory_space<hbm>>
    %dma_start3A_634 = arith.constant 0 : i32
    %dma_start3A_635 = tpu.memref_slice %arg4[%add3A_623, %dma_start3A_634] : memref<51200x128xf32, #tpu.memory_space<hbm>> -> memref<400x128xf32, #tpu.memory_space<hbm>>
    %dma_start3A_636 = arith.constant 0 : i32
    %dma_start3A_637 = arith.constant 0 : i32
    %dma_start3A_638 = tpu.memref_slice %arg6[%dma_start3A_624, %dma_start3A_636, %dma_start3A_637] : memref<2x400x128xf32, #tpu.memory_space<vmem>> -> memref<1x400x128xf32, #tpu.memory_space<vmem>>
    %dma_start3A_639 = tpu.memref_squeeze %dma_start3A_638 : memref<1x400x128xf32, #tpu.memory_space<vmem>> -> memref<400x128xf32, #tpu.memory_space<vmem>>
    %dma_start3A_640 = arith.constant 0 : i32
    %dma_start3A_641 = arith.constant 0 : i32
    %dma_start3A_642 = tpu.memref_slice %dma_start3A_639[%dma_start3A_640, %dma_start3A_641] : memref<400x128xf32, #tpu.memory_space<vmem>> -> memref<400x128xf32, #tpu.memory_space<vmem>>
    tpu.enqueue_dma source(%dma_start3A_642 : memref<400x128xf32, #tpu.memory_space<vmem>>) target(%dma_start3A_635 : memref<400x128xf32, #tpu.memory_space<hbm>>) target_semaphore(%arg8 : memref<!tpu.dma_semaphore, #tpu.memory_space<semaphore_mem>>)
    %dma_wait3A_643 = arith.constant 0 : i32
    %dma_wait3A_644 = arith.constant 0 : i32
    %dma_wait3A_645 = arith.constant 0 : i32
    %dma_wait3A_646 = tpu.memref_slice %arg6[%dma_wait3A_643, %dma_wait3A_644, %dma_wait3A_645] : memref<2x400x128xf32, #tpu.memory_space<vmem>> -> memref<1x400x128xf32, #tpu.memory_space<vmem>>
    %dma_wait3A_647 = tpu.memref_squeeze %dma_wait3A_646 : memref<1x400x128xf32, #tpu.memory_space<vmem>> -> memref<400x128xf32, #tpu.memory_space<vmem>>
    %dma_wait3A_648 = arith.constant 0 : i32
    %dma_wait3A_649 = arith.constant 0 : i32
    %dma_wait3A_650 = tpu.memref_slice %dma_wait3A_647[%dma_wait3A_648, %dma_wait3A_649] : memref<400x128xf32, #tpu.memory_space<vmem>> -> memref<400x128xf32, #tpu.memory_space<vmem>>
    %dma_wait3A_651 = arith.constant 0 : i32
    %dma_wait3A_652 = tpu.memref_slice %arg4[%add3A_537, %dma_wait3A_651] : memref<51200x128xf32, #tpu.memory_space<hbm>> -> memref<400x128xf32, #tpu.memory_space<hbm>>
    %dma_wait3A_653 = arith.constant 0 : i32
    %dma_wait3A_654 = tpu.memref_slice %arg4[%add3A_537, %dma_wait3A_653] : memref<51200x128xf32, #tpu.memory_space<hbm>> -> memref<400x128xf32, #tpu.memory_space<hbm>>
    %dma_wait3A_655 = arith.constant 0 : i32
    %dma_wait3A_656 = arith.constant 0 : i32
    %dma_wait3A_657 = tpu.memref_slice %arg6[%dma_wait3A_643, %dma_wait3A_655, %dma_wait3A_656] : memref<2x400x128xf32, #tpu.memory_space<vmem>> -> memref<1x400x128xf32, #tpu.memory_space<vmem>>
    %dma_wait3A_658 = tpu.memref_squeeze %dma_wait3A_657 : memref<1x400x128xf32, #tpu.memory_space<vmem>> -> memref<400x128xf32, #tpu.memory_space<vmem>>
    %dma_wait3A_659 = arith.constant 0 : i32
    %dma_wait3A_660 = arith.constant 0 : i32
    %dma_wait3A_661 = tpu.memref_slice %dma_wait3A_658[%dma_wait3A_659, %dma_wait3A_660] : memref<400x128xf32, #tpu.memory_space<vmem>> -> memref<400x128xf32, #tpu.memory_space<vmem>>
    tpu.wait_dma2 semaphore(%arg8 : memref<!tpu.dma_semaphore, #tpu.memory_space<semaphore_mem>>) src(%dma_wait3A_661 : memref<400x128xf32, #tpu.memory_space<vmem>>) dst(%dma_wait3A_654 : memref<400x128xf32, #tpu.memory_space<hbm>>)
    %dma_wait3A_662 = arith.constant 1 : i32
    %dma_wait3A_663 = arith.constant 0 : i32
    %dma_wait3A_664 = arith.constant 0 : i32
    %dma_wait3A_665 = tpu.memref_slice %arg6[%dma_wait3A_662, %dma_wait3A_663, %dma_wait3A_664] : memref<2x400x128xf32, #tpu.memory_space<vmem>> -> memref<1x400x128xf32, #tpu.memory_space<vmem>>
    %dma_wait3A_666 = tpu.memref_squeeze %dma_wait3A_665 : memref<1x400x128xf32, #tpu.memory_space<vmem>> -> memref<400x128xf32, #tpu.memory_space<vmem>>
    %dma_wait3A_667 = arith.constant 0 : i32
    %dma_wait3A_668 = arith.constant 0 : i32
    %dma_wait3A_669 = tpu.memref_slice %dma_wait3A_666[%dma_wait3A_667, %dma_wait3A_668] : memref<400x128xf32, #tpu.memory_space<vmem>> -> memref<400x128xf32, #tpu.memory_space<vmem>>
    %dma_wait3A_670 = arith.constant 0 : i32
    %dma_wait3A_671 = tpu.memref_slice %arg4[%add3A_623, %dma_wait3A_670] : memref<51200x128xf32, #tpu.memory_space<hbm>> -> memref<400x128xf32, #tpu.memory_space<hbm>>
    %dma_wait3A_672 = arith.constant 0 : i32
    %dma_wait3A_673 = tpu.memref_slice %arg4[%add3A_623, %dma_wait3A_672] : memref<51200x128xf32, #tpu.memory_space<hbm>> -> memref<400x128xf32, #tpu.memory_space<hbm>>
    %dma_wait3A_674 = arith.constant 0 : i32
    %dma_wait3A_675 = arith.constant 0 : i32
    %dma_wait3A_676 = tpu.memref_slice %arg6[%dma_wait3A_662, %dma_wait3A_674, %dma_wait3A_675] : memref<2x400x128xf32, #tpu.memory_space<vmem>> -> memref<1x400x128xf32, #tpu.memory_space<vmem>>
    %dma_wait3A_677 = tpu.memref_squeeze %dma_wait3A_676 : memref<1x400x128xf32, #tpu.memory_space<vmem>> -> memref<400x128xf32, #tpu.memory_space<vmem>>
    %dma_wait3A_678 = arith.constant 0 : i32
    %dma_wait3A_679 = arith.constant 0 : i32
    %dma_wait3A_680 = tpu.memref_slice %dma_wait3A_677[%dma_wait3A_678, %dma_wait3A_679] : memref<400x128xf32, #tpu.memory_space<vmem>> -> memref<400x128xf32, #tpu.memory_space<vmem>>
    tpu.wait_dma2 semaphore(%arg8 : memref<!tpu.dma_semaphore, #tpu.memory_space<semaphore_mem>>) src(%dma_wait3A_680 : memref<400x128xf32, #tpu.memory_space<vmem>>) dst(%dma_wait3A_673 : memref<400x128xf32, #tpu.memory_space<hbm>>)
    return
  }
}

</mosaic_0001>

<sc_bundles>
// kernel: kernel.3.cloned.1.call-start
scs
__scs_entry_jumppad:
0x0: {  	(pc) =	sbr.rel $0x88, $3  }
0x1: {  	(tag) =	ssettag $0x0;
	lr =	simm.s32 $0x1  }
0x2: {  	[smem:$0x3F9F] =	sst lr;
	_ =	strace $0xD0000000  }
0x3: {  	_ = 	snop  }
0x4: {  	_ = 	snop  }
0x5: {  	_ = 	snop  }
0x6: {  	_ = 	snop  }
0x7: {  	_ = 	snop  }
__scs_overlays_trampoline_lowered:
0x8: {  	[smem:$0x3FAE] =	sst s0  }
0x9: {  	[smem:$0x3FAF] =	sst s1  }
0xa: {  	[smem:$0x3FB0] =	sst s2  }
0xb: {  	[smem:$0x3FB1] =	sst s3  }
0xc: {  	[smem:$0x3FB2] =	sst s4  }
0xd: {  	[smem:$0x3FB3] =	sst s5  }
0xe: {  	[smem:$0x3FB4] =	sst s6  }
0xf: {  	[smem:$0x3FB5] =	sst s7  }
0x10: {  	[smem:$0x3FB6] =	sst s8  }
0x11: {  	[smem:$0x3FB7] =	sst s9;
	s0 =	simm.s32 @!p0 $0x0  }
0x12: {  	s1 =	sld [smem:$0x3F9D];
	s0 =	simm.s32 @p0 $0x1  }
0x13: {  	[smem:$0x3FB8] =	sst s0;
	s0 =	simm.s32 @!p1 $0x0  }
0x14: {  	s2 =	sld [smem:$0x3F9C];
	s0 =	simm.s32 @p1 $0x1  }
0x15: {  	[smem:$0x3FB9] =	sst s0;
	s0 =	simm.s32 @!p2 $0x0  }
0x16: {  	s3 =	sld [smem:$0x3FDB];
	s0 =	simm.s32 @p2 $0x1  }
0x17: {  	s4 =	simm.s32 $0x1BF5;
	[smem:$0x3FBB] =	sst s0  }
0x18: {  	s0 =	sld [smem:$0x3F9E];
	_ =	swait.ge [sflag:s4], $0x0  }
0x19: {  	s7 =	sld [smem:$0x3F9F]  }
0x1a: {  	s8 =	sadd.s32 $0xFFFFE003, lr  }
0x1b: {  	s9 =	sadd.s32 $0xFFFFFEF7, lr;
	s5 =	simm.s32 $0xFFFFFFFF;
	p2 =	slt.u32 s8, $0xFFFFF086  }
0x1c: {  	p1 =	slt.u32 s9, $0xF7A;
	s5 =	simm.s32 @!p2 $0x0  }
0x1d: {  	s5 =	simm.s32 @p1 $0x1;
	p0 =	seq.s32 s7, s2  }
0x1e: {  	s7 =	smul.u32 @!p0 $0xF7A, s2;
	p2 =	seq.s32 @!p0 s5, $0x0  }
0x1f: {  	s9 =	smul.u32 $0xF7A, s1;
	s8 =	simm.s32 @!p0 $0x1BF5;
	p2 =	por !p2, p0  }
0x20: {  	[sflag:s8] =	ssyncset.s32 @!p0 $0xFFFFF086;
	s6 =	sadd.s32 @!p0 s3, s7;
	s7 =	simm.s32 @!p0 $0x108  }
0x21: {  	s3 =	sadd.s32 s3, s9;
	s6 =	sadd.s32 @!p0 $0x88, s6;
	s7 =	simm.s32 @p2 $0x1082  }
0x22: {  	[simem:s7], [sflag:s8] =	dma.local @!p0 [hbm:s6], $0xF7A  }
0x23: {  	s9 =	sor.u32 $0xD0000000, s2;
	s6 =	simm.s32 $0x108;
	_ =	swait.ge @!p0 [sflag:s8], $0x0  }
0x24: {  	s3 =	sadd.s32 $0x88, s3;
	s6 =	simm.s32 @!p1 $0x1082;
	[sflag:s4] =	ssyncset.s32 $0xFFFFF086  }
0x25: {  	[simem:s6], [sflag:s4] =	dma.local [hbm:s3], $0xF7A  }
0x26: {  	[smem:$0x3F9F] =	sst s1;
	(tag) =	ssettag s2;
	_ =	strace s9  }
0x27: {  	s1 =	sld [smem:$0x3FAF]  }
0x28: {  	s2 =	sld [smem:$0x3FB0]  }
0x29: {  	s4 =	sld [smem:$0x3FB2]  }
0x2a: {  	p0 =	seq.s32 s5, $0x0;
	s5 =	sld [smem:$0x3FB3]  }
0x2b: {  	s6 =	sld [smem:$0x3FB4]  }
0x2c: {  	s7 =	sld [smem:$0x3FB5]  }
0x2d: {  	s3 =	simm.s32 $0x108;
	s8 =	sld [smem:$0x3FB6]  }
0x2e: {  	s3 =	simm.s32 @!p0 $0x1082;
	s9 =	sld [smem:$0x3FB7]  }
0x2f: {  	lr =	sadd.s32 s0, s3;
	s0 =	sld [smem:$0x3FAE]  }
0x30: {  	s3 =	sld [smem:$0x3FB1]  }
0x31: {  	[smem:$0x3FBA] =	sst s10  }
0x32: {  	s10 =	sld [smem:$0x3FB8];
	_ =	sdelay $0x3  }
0x33: {  	p0 =	seq.s32 s10, $0x1;
	s10 =	sld [smem:$0x3FBA];
	_ =	sdelay $0x3  }
0x34: {  	[smem:$0x3FBA] =	sst s10  }
0x35: {  	s10 =	sld [smem:$0x3FB9];
	_ =	sdelay $0x3  }
0x36: {  	p1 =	seq.s32 s10, $0x1;
	s10 =	sld [smem:$0x3FBA];
	_ =	sdelay $0x3  }
0x37: {  	[smem:$0x3FBA] =	sst s10  }
0x38: {  	s10 =	sld [smem:$0x3FBB]  }
0x39: {  	_ = 	snop;
	(pc) =	sbr.ind lr, $3  }
0x3a: {  	_ = 	snop  }
0x3b: {  	_ = 	snop  }
0x3c: {  	p2 =	seq.s32 s10, $0x1;
	s10 =	sld [smem:$0x3FBA]  }
0x3d: {  	_ =	shalt  }
0x3e: {  	_ =	shalt  }
0x3f: {  	_ =	shalt  }
0x40: {  	_ =	shalt  }
0x41: {  	_ =	shalt  }
0x42: {  	_ =	shalt  }
0x43: {  	_ =	shalt  }
0x44: {  	_ =	shalt  }
0x45: {  	_ =	shalt  }
0x46: {  	_ =	shalt  }
0x47: {  	_ =	shalt  }
0x48: {  	_ =	shalt  }
0x49: {  	_ =	shalt  }
0x4a: {  	_ =	shalt  }
0x4b: {  	_ =	shalt  }
0x4c: {  	_ =	shalt  }
0x4d: {  	_ =	shalt  }
0x4e: {  	_ =	shalt  }
0x4f: {  	_ =	shalt  }
0x50: {  	_ =	shalt  }
0x51: {  	_ =	shalt  }
0x52: {  	_ =	shalt  }
0x53: {  	_ =	shalt  }
0x54: {  	_ =	shalt  }
0x55: {  	_ =	shalt  }
0x56: {  	_ =	shalt  }
0x57: {  	_ =	shalt  }
0x58: {  	_ =	shalt  }
0x59: {  	_ =	shalt  }
0x5a: {  	_ =	shalt  }
0x5b: {  	_ =	shalt  }
0x5c: {  	_ =	shalt  }
0x5d: {  	_ =	shalt  }
0x5e: {  	_ =	shalt  }
0x5f: {  	_ =	shalt  }
0x60: {  	_ =	shalt  }
0x61: {  	_ =	shalt  }
0x62: {  	_ =	shalt  }
0x63: {  	_ =	shalt  }
0x64: {  	_ =	shalt  }
0x65: {  	_ =	shalt  }
0x66: {  	_ =	shalt  }
0x67: {  	_ =	shalt  }
0x68: {  	_ =	shalt  }
0x69: {  	_ =	shalt  }
0x6a: {  	_ =	shalt  }
0x6b: {  	_ =	shalt  }
0x6c: {  	_ =	shalt  }
0x6d: {  	_ =	shalt  }
0x6e: {  	_ =	shalt  }
0x6f: {  	_ =	shalt  }
0x70: {  	_ =	shalt  }
0x71: {  	_ =	shalt  }
0x72: {  	_ =	shalt  }
0x73: {  	_ =	shalt  }
0x74: {  	_ =	shalt  }
0x75: {  	_ =	shalt  }
0x76: {  	_ =	shalt  }
0x77: {  	_ =	shalt  }
0x78: {  	_ =	shalt  }
0x79: {  	_ =	shalt  }
0x7a: {  	_ =	shalt  }
0x7b: {  	_ =	shalt  }
0x7c: {  	_ =	shalt  }
0x7d: {  	_ =	shalt  }
0x7e: {  	_ =	shalt  }
0x7f: {  	_ =	shalt  }
0x80: {  	_ =	shalt  }
0x81: {  	_ =	shalt  }
0x82: {  	_ =	shalt  }
0x83: {  	_ =	shalt  }
0x84: {  	_ =	shalt  }
0x85: {  	_ =	shalt  }
0x86: {  	_ =	shalt  }
0x87: {  	_ =	shalt  }
.Lfunc_end0:
.L_simem_size_0:
called_computation_lowered:
.L_overlay_start_0:
0x88: {  	s2 =	sld [smem:$0x3FD9]  }
0x89: {  	s3 =	sld [smem:$0x3FFE];
	_ =	sdelay $0x1  }
0x8a: {  	s1 =	srdreg.scid  }
0x8b: {  	s0 =	sand.u32 $0x1, s1  }
0x8c: {  	s17 =	sshll.u32 s0, $0xA;
	s2 =	sadd.s32 s3, s2  }
0x8d: {  	s2 =	sadd.s32 s2, s17  }
0x8e: {  	[smem:$0x3FC6] =	sst s2  }
0x8f: {  	_ = 	snop  }
0x90: {  	s2 =	sld [smem:$0x3FC8]  }
0x91: {  	s18 =	sld [smem:$0x3FD0];
	(tm) =	ssettm $0x1  }
0x92: {  	s4 =	sld [smem:$0x3FFB];
	_ =	sdelay $0x3  }
0x93: {  	_ =	strace s4  }
0x94: {  	s4 =	sld [smem:$0x3FFC];
	_ =	sdelay $0x3  }
0x95: {  	_ =	strace s4  }
0x96: {  	s4 =	sld [smem:$0x3FFD];
	_ =	sdelay $0x3  }
0x97: {  	_ =	strace s4  }
0x98: {  	_ =	strace $0x8FFFFFFF  }
0x99: {  	s19 =	sld [smem:$0x3FDB];
	_ =	sdelay $0x1  }
0x9a: {  	s5 =	simm.s32 $_scs_section_size  }
0x9b: {  	s6 =	simm.s32 $_size__tile_overlayer_lowered;
	s7 =	simm.s32 $_tile_overlayer_lowered  }
0x9c: {  	s22 =	simm.s32 $0x1BFF;
	s21 =	sshll.u32 s7, $0x1;
	s4 =	sadd.s32 s5, s19  }
0x9d: {  	s8 =	simm.s32 $0x0;
	s20 =	sshll.u32 s6, $0x1;
	s6 =	sadd.s32 s21, s4  }
0x9e: {  	[timem:s8], [sflag:s22] =	dma.local [hbm:s6], s20  }
0x9f: {  	_ =	swait.ge [sflag:s22], s20  }
0xa0: {  	s5 =	ssub.s32 $0x0, s20;
	[sflag:s22] =	ssyncset.done $0x0  }
0xa1: {  	[sflag:s22] =	ssyncadd.s32 s5;
	_ =	sdelay $0x1  }
0xa2: {  	s23 =	simm.s32 $0x1B8B  }
0xa3: {  	_ =	swait.ge [sflag:s23], $0x1  }
0xa4: {  	[sflag:s23] =	ssyncset.done $0x0  }
0xa5: {  	s25 =	simm.s32 $0x1B8E;
	s24 =	sld [smem:$0x3FFE];
	[sflag:s23] =	ssyncadd.s32 $0xFFFFFFFF  }
0xa6: {  	s26 =	simm.s32 $execute0_lowered;
	[smem:$0x3FD2] =	sst s25  }
0xa7: {  	s6 =	sshll.u32 s26, $0x1;
	_ =	strace $0x80000046;
	[dreg:$0x1] =	wrdreg $0xFFFFFFFF  }
0xa8: {  	s28 =	simm.s32 $_size_execute0_lowered;
	s4 =	sadd.s32 s4, s6;
	[dreg:$0x0] =	wrdreg $0x0  }
0xa9: {  	s6 =	sshll.u32 s28, $0x1;
	[dreg:$0x2] =	wrdreg s4  }
0xaa: {  	[dreg:$0x3] =	wrdreg s6  }
0xab: {  	[dreg:$0x4] =	wrdreg $0xC0  }
0xac: {  	_ =	task [dreg:s8], $0x5FFFF  }
0xad: {  	[dreg:$0x1] =	wrdreg $0xFFFFFFFF  }
0xae: {  	[dreg:$0x0] =	wrdreg $0x60  }
0xaf: {  	[dreg:$0x2] =	wrdreg s2  }
0xb0: {  	[dreg:$0x3] =	wrdreg s24  }
0xb1: {  	[dreg:$0x4] =	wrdreg s18  }
0xb2: {  	[dreg:$0x5] =	wrdreg $0x9  }
0xb3: {  	_ =	task.clear_ibuf [dreg:s8], $0x6FFFF;
	_ =	strace $0x90000046  }
0xb4: {  	s29 =	simm.s32 $0x9;
	_ =	strace $0x80000048  }
0xb5: {  	_ =	swait.ge [sflag:s29], $0x1  }
0xb6: {  	[sflag:s29] =	ssyncadd.s32 $0xFFFFFFFF  }
0xb7: {  	_ =	strace $0x90000048  }
0xb8: {  	_ =	sfence  }
0xb9: {  	s30 =	sld [smem:$0x0];
	_ =	sdelay $0x2  }
0xba: {  	s31 =	sshll.u32 s1, $0xD;
	s1 =	sshrl.u32 s1, $0x2  }
0xbb: {  	s3 =	sand.u32 $0x4000, s31;
	s1 =	sadd.s32 s1, s30  }
0xbc: {  	s0 =	sor.u32 s3, s0;
	s1 =	sshll.u32 s1, $0x11  }
0xbd: {  	s0 =	sor.u32 s1, s0  }
0xbe: {  	s0 =	sadd.s32 $0x8F2B, s0  }
0xbf: {  	[sflag:s0] =	ssyncadd.remote.s32 $0x1  }
0xc0: {  	_ =	sfence.sel $0xFFFF  }
0xc1: {  	[dreg:$0x0] =	wrdreg $0xFFFFFFFF;
	(pc) =	sbr.abs _section_cstart, $3  }
0xc2: {  	[dreg:$0x1] =	wrdreg $0xFFFFFFFF  }
0xc3: {  	_ =	task.clear_ibuf [dreg:s8], $0x2FFFF;
	_ =	strace $0x9FFFFFFF  }
0xc4: {  	(tm) =	ssettm $0x7FFFFFFF  }
0xc5: {  	_ =	shalt  }
tec
execute0_lowered:
.L_overlay_start_1:
0x0: {  	(tag) =	ssettag $0x1  }
0x1: {  	s3 =	rddreg [dreg:$0x0]  }
0x2: {  	s0 =	srdreg.scid;
	s4 =	rddreg [dreg:$0x1]  }
0x3: {  	s1 =	stileid.u32;
	s5 =	rddreg [dreg:$0x2];
	s2 =	simm.s32 $0x0  }
0x4: {  	s28 =	simm.s32 $0x3;
	s8 =	simm.s32 $0x50;
	s13 =	simm.s32 $0x2E80  }
0x5: {  	s22 =	simm.s32 $0xA0;
	s14 =	simm.s32 $0x5680;
	s23 =	simm.s32 $0xF0  }
0x6: {  	s15 =	simm.s32 $0x7E80;
	s24 =	simm.s32 $0x140;
	s25 =	simm.s32 $0x190  }
0x7: {  	s26 =	simm.s32 $0x1E0;
	s9 =	simm.s32 $0xF680;
	s10 =	simm.s32 $0x11E80  }
0x8: {  	s31 =	simm.s32 $0x280;
	s11 =	simm.s32 $0x14680;
	[smem:$0x7FF] =	sst s2  }
0x9: {  	s30 =	simm.s32 $0x2D0;
	_ =	strace $0x80000047;
	[dreg:$0x9] =	wrdreg s22  }
0xa: {  	s12 =	simm.s32 $0x16E80;
	p0 =	por $0x0, $0x0;
	[dreg:$0xa] =	wrdreg s23  }
0xb: {  	s0 =	sand.u32 $0x1, s0;
	s1 =	sshll.u32 s1, $0x1;
	[dreg:$0xb] =	wrdreg s24  }
0xc: {  	s29 =	simm.s32 $0x460;
	s1 =	sor.u32 s0, s1;
	[dreg:$0xc] =	wrdreg s25  }
0xd: {  	s0 =	ssub.s32 $0x2, s0;
	[dreg:$0xd] =	wrdreg s26;
	s23 =	simm.s32 $0x320  }
0xe: {  	s24 =	simm.s32 $0x370;
	s25 =	simm.s32 $0x3C0;
	s6 =	smul.u32 $0xC8, s1  }
0xf: {  	s26 =	simm.s32 $0x410;
	s7 =	smul.u32 $0x32000, s1;
	s20 =	sshrl.u32 s0, $0x1  }
0x10: {  	s22 =	simm.s32 $0x5F0;
	s1 =	smul.u32 $0x6400, s1;
	s0 =	ssub.s32 s0, s20  }
0x11: {  	s20 =	simm.s32 $0x550;
	s4 =	sadd.s32 s6, s4;
	s16 =	sshrl.u32 s7, $0x3  }
0x12: {  	s1 =	sadd.s32 s5, s1;
	s0 =	smax.u32 s0, $0x1;
	s7 =	simm.s32 $0x1  }
0x13: {  	s6 =	simm.s32 $0x2;
	s4 =	sadd.s32 $0x400, s4;
	s17 =	sadd.s32 s5, s16  }
0x14: {  	[dreg:$0x5] =	wrdreg s1;
	s5 =	simm.s32 $0x680;
	p1 =	sne.s32 s0, $0x1  }
.Ltmp0:
0x15: {  	[dreg:$0x4] =	wrdreg s4;
	s18 =	sadd.s32 $0x1900, s17;
	(pc) =	sbr.rel @!p1 .LBB2_1-.Ltmp0, $4  }
0x16: {  	s16 =	simm.s32 $0xA680;
	s19 =	sadd.s32 $0x3200, s17;
	[dreg:$0x6] =	wrdreg s18  }
0x17: {  	s21 =	sadd.s32 $0x4B00, s17;
	s4 =	simm.s32 $0xCE80;
	[dreg:$0x7] =	wrdreg s19  }
0x18: {  	s17 =	sadd.s32 $0xFFFFFFFF, s0;
	[dreg:$0x8] =	wrdreg s21;
	s18 =	simm.s32 $0x4B0  }
0x19: {  	s19 =	simm.s32 $0x500;
	s21 =	simm.s32 $0x5A0;
	s0 =	rddreg [dreg:$0x4]  }
0x1a: {  	[tilespmem:s2], [sflag:$0x3] =	stream.linear.gather [hbm4b:s0+s2], $0x640, $0x38;
	[tilespmem:$0x19680] =	vst v63  }
0x1b: {  	_ =	swait.ge [sflag:s28], $0x640  }
0x1c: {  	[sflag:s28] =	ssyncset.done $0x0  }
0x1d: {  	[sflag:s28] =	ssyncadd.s32 $0xFFFFF9C0  }
0x1e: {  	[tilespmem:s5], [sflag:$0x1] =	stream.indirect.gather [hbm4b:s3+s8], $0x80, s2, s8, $0xb8;
	[tilespmem:$0x19680] =	vst v63  }
0x1f: {  	_ = 	snop  }
0x20: {  	[tilespmem:s13], [sflag:$0x1] =	stream.indirect.gather [hbm4b:s3+s8], $0x80, s8, s8, $0xb8;
	[tilespmem:$0x19680] =	vst v63  }
0x21: {  	s0 =	rddreg [dreg:$0x9]  }
0x22: {  	[tilespmem:s14], [sflag:$0x1] =	stream.indirect.gather [hbm4b:s3+s8], $0x80, s0, s8, $0xb8;
	[tilespmem:$0x19680] =	vst v63  }
0x23: {  	s1 =	rddreg [dreg:$0xa]  }
0x24: {  	[tilespmem:s15], [sflag:$0x1] =	stream.indirect.gather [hbm4b:s3+s8], $0x80, s1, s8, $0xb8;
	[tilespmem:$0x19680] =	vst v63  }
0x25: {  	s0 =	rddreg [dreg:$0xb]  }
0x26: {  	[tilespmem:s16], [sflag:$0x1] =	stream.indirect.gather [hbm4b:s3+s8], $0x80, s0, s8, $0xb8;
	[tilespmem:$0x19680] =	vst v63  }
0x27: {  	s1 =	rddreg [dreg:$0xc]  }
0x28: {  	[tilespmem:s4], [sflag:$0x1] =	stream.indirect.gather [hbm4b:s3+s8], $0x80, s1, s8, $0xb8;
	[tilespmem:$0x19680] =	vst v63  }
0x29: {  	s0 =	rddreg [dreg:$0xd]  }
0x2a: {  	[tilespmem:s9], [sflag:$0x1] =	stream.indirect.gather [hbm4b:s3+s8], $0x80, s0, s8, $0xb8;
	[tilespmem:$0x19680] =	vst v63  }
0x2b: {  	s1 =	simm.s32 $0x230  }
0x2c: {  	[tilespmem:s10], [sflag:$0x1] =	stream.indirect.gather [hbm4b:s3+s8], $0x80, s1, s8, $0xb8;
	[tilespmem:$0x19680] =	vst v63  }
0x2d: {  	_ = 	snop  }
0x2e: {  	[tilespmem:s11], [sflag:$0x1] =	stream.indirect.gather [hbm4b:s3+s8], $0x80, s31, s8, $0xb8;
	[tilespmem:$0x19680] =	vst v63  }
0x2f: {  	_ = 	snop  }
0x30: {  	[tilespmem:s12], [sflag:$0x1] =	stream.indirect.gather [hbm4b:s3+s8], $0x80, s30, s8, $0xb8;
	[tilespmem:$0x19680] =	vst v63  }
0x31: {  	_ =	swait.ge [sflag:s7], $0x2800  }
0x32: {  	[sflag:s7] =	ssyncset.done $0x0  }
0x33: {  	[sflag:s7] =	ssyncadd.s32 $0xFFFFD800  }
0x34: {  	_ =	swait.ge [sflag:s7], $0x2800  }
0x35: {  	[sflag:s7] =	ssyncset.done $0x0  }
0x36: {  	[sflag:s7] =	ssyncadd.s32 $0xFFFFD800  }
0x37: {  	_ =	swait.ge [sflag:s7], $0x2800  }
0x38: {  	[sflag:s7] =	ssyncset.done $0x0  }
0x39: {  	[sflag:s7] =	ssyncadd.s32 $0xFFFFD800  }
0x3a: {  	_ =	swait.ge [sflag:s7], $0x2800  }
0x3b: {  	[sflag:s7] =	ssyncset.done $0x0  }
0x3c: {  	[sflag:s7] =	ssyncadd.s32 $0xFFFFD800  }
0x3d: {  	_ =	swait.ge [sflag:s7], $0x2800  }
0x3e: {  	[sflag:s7] =	ssyncset.done $0x0  }
0x3f: {  	s1 =	rddreg [dreg:$0x5];
	[sflag:s7] =	ssyncadd.s32 $0xFFFFD800  }
0x40: {  	[hbm4b:s1+s2] =	stream.linear.scatter [tilespmem:s5], [sflag:$0x2], $0xC800, $0x38;
	[tilespmem:$0x19680] =	vst v63  }
0x41: {  	_ =	swait.ge [sflag:s6], $0xC800  }
0x42: {  	[sflag:s6] =	ssyncset.done $0x0  }
0x43: {  	[sflag:s6] =	ssyncadd.s32 $0xFFFF3800  }
0x44: {  	[tilespmem:s5], [sflag:$0x1] =	stream.indirect.gather [hbm4b:s3+s8], $0x80, s23, s8, $0xb8;
	[tilespmem:$0x19680] =	vst v63  }
0x45: {  	_ = 	snop  }
0x46: {  	[tilespmem:s13], [sflag:$0x1] =	stream.indirect.gather [hbm4b:s3+s8], $0x80, s24, s8, $0xb8;
	[tilespmem:$0x19680] =	vst v63  }
0x47: {  	_ = 	snop  }
0x48: {  	[tilespmem:s14], [sflag:$0x1] =	stream.indirect.gather [hbm4b:s3+s8], $0x80, s25, s8, $0xb8;
	[tilespmem:$0x19680] =	vst v63  }
0x49: {  	_ = 	snop  }
0x4a: {  	[tilespmem:s15], [sflag:$0x1] =	stream.indirect.gather [hbm4b:s3+s8], $0x80, s26, s8, $0xb8;
	[tilespmem:$0x19680] =	vst v63  }
0x4b: {  	_ = 	snop  }
0x4c: {  	[tilespmem:s16], [sflag:$0x1] =	stream.indirect.gather [hbm4b:s3+s8], $0x80, s29, s8, $0xb8;
	[tilespmem:$0x19680] =	vst v63  }
0x4d: {  	_ =	swait.ge [sflag:s7], $0x2800  }
0x4e: {  	[sflag:s7] =	ssyncset.done $0x0  }
0x4f: {  	[sflag:s7] =	ssyncadd.s32 $0xFFFFD800  }
0x50: {  	_ =	swait.ge [sflag:s7], $0x2800  }
0x51: {  	[sflag:s7] =	ssyncset.done $0x0  }
0x52: {  	[sflag:s7] =	ssyncadd.s32 $0xFFFFD800  }
0x53: {  	_ =	swait.ge [sflag:s7], $0x2800  }
0x54: {  	[sflag:s7] =	ssyncset.done $0x0  }
0x55: {  	[sflag:s7] =	ssyncadd.s32 $0xFFFFD800  }
0x56: {  	_ =	swait.ge [sflag:s7], $0x2800  }
0x57: {  	[sflag:s7] =	ssyncset.done $0x0  }
0x58: {  	[sflag:s7] =	ssyncadd.s32 $0xFFFFD800  }
0x59: {  	_ =	swait.ge [sflag:s7], $0x2800  }
0x5a: {  	[sflag:s7] =	ssyncset.done $0x0  }
0x5b: {  	s1 =	rddreg [dreg:$0x6];
	[sflag:s7] =	ssyncadd.s32 $0xFFFFD800  }
0x5c: {  	[hbm4b:s1+s2] =	stream.linear.scatter [tilespmem:s4], [sflag:$0x2], $0xC800, $0x38;
	[tilespmem:$0x19680] =	vst v63  }
0x5d: {  	_ =	swait.ge [sflag:s6], $0xC800  }
0x5e: {  	[sflag:s6] =	ssyncset.done $0x0  }
0x5f: {  	[sflag:s6] =	ssyncadd.s32 $0xFFFF3800  }
0x60: {  	[tilespmem:s4], [sflag:$0x1] =	stream.indirect.gather [hbm4b:s3+s8], $0x80, s18, s8, $0xb8;
	[tilespmem:$0x19680] =	vst v63  }
0x61: {  	_ = 	snop  }
0x62: {  	[tilespmem:s9], [sflag:$0x1] =	stream.indirect.gather [hbm4b:s3+s8], $0x80, s19, s8, $0xb8;
	[tilespmem:$0x19680] =	vst v63  }
0x63: {  	_ = 	snop  }
0x64: {  	[tilespmem:s10], [sflag:$0x1] =	stream.indirect.gather [hbm4b:s3+s8], $0x80, s20, s8, $0xb8;
	[tilespmem:$0x19680] =	vst v63  }
0x65: {  	_ = 	snop  }
0x66: {  	[tilespmem:s11], [sflag:$0x1] =	stream.indirect.gather [hbm4b:s3+s8], $0x80, s21, s8, $0xb8;
	[tilespmem:$0x19680] =	vst v63  }
0x67: {  	_ = 	snop  }
0x68: {  	[tilespmem:s12], [sflag:$0x1] =	stream.indirect.gather [hbm4b:s3+s8], $0x80, s22, s8, $0xb8;
	[tilespmem:$0x19680] =	vst v63  }
0x69: {  	_ =	swait.ge [sflag:s7], $0x2800  }
0x6a: {  	[sflag:s7] =	ssyncset.done $0x0  }
0x6b: {  	[sflag:s7] =	ssyncadd.s32 $0xFFFFD800  }
0x6c: {  	_ =	swait.ge [sflag:s7], $0x2800  }
0x6d: {  	[sflag:s7] =	ssyncset.done $0x0  }
0x6e: {  	[sflag:s7] =	ssyncadd.s32 $0xFFFFD800  }
0x6f: {  	_ =	swait.ge [sflag:s7], $0x2800  }
0x70: {  	[sflag:s7] =	ssyncset.done $0x0  }
0x71: {  	[sflag:s7] =	ssyncadd.s32 $0xFFFFD800  }
0x72: {  	_ =	swait.ge [sflag:s7], $0x2800  }
0x73: {  	[sflag:s7] =	ssyncset.done $0x0  }
0x74: {  	[sflag:s7] =	ssyncadd.s32 $0xFFFFD800  }
0x75: {  	_ =	swait.ge [sflag:s7], $0x2800  }
0x76: {  	[sflag:s7] =	ssyncset.done $0x0  }
0x77: {  	s1 =	rddreg [dreg:$0x7];
	[sflag:s7] =	ssyncadd.s32 $0xFFFFD800  }
0x78: {  	[hbm4b:s1+s2] =	stream.linear.scatter [tilespmem:s5], [sflag:$0x2], $0xC800, $0x38;
	[tilespmem:$0x19680] =	vst v63  }
0x79: {  	_ =	swait.ge [sflag:s7], $0x2800  }
0x7a: {  	[sflag:s7] =	ssyncset.done $0x0  }
0x7b: {  	[sflag:s7] =	ssyncadd.s32 $0xFFFFD800  }
0x7c: {  	_ =	swait.ge [sflag:s7], $0x2800  }
0x7d: {  	[sflag:s7] =	ssyncset.done $0x0  }
0x7e: {  	[sflag:s7] =	ssyncadd.s32 $0xFFFFD800  }
0x7f: {  	_ =	swait.ge [sflag:s7], $0x2800  }
0x80: {  	[sflag:s7] =	ssyncset.done $0x0  }
0x81: {  	[sflag:s7] =	ssyncadd.s32 $0xFFFFD800  }
0x82: {  	_ =	swait.ge [sflag:s7], $0x2800  }
0x83: {  	[sflag:s7] =	ssyncset.done $0x0  }
0x84: {  	[sflag:s7] =	ssyncadd.s32 $0xFFFFD800  }
0x85: {  	_ =	swait.ge [sflag:s7], $0x2800  }
0x86: {  	[sflag:s7] =	ssyncset.done $0x0  }
0x87: {  	p1 =	sne.s32 s17, $0x1;
	s1 =	rddreg [dreg:$0x8];
	[sflag:s7] =	ssyncadd.s32 $0xFFFFD800  }
0x88: {  	[hbm4b:s1+s2] =	stream.linear.scatter [tilespmem:s4], [sflag:$0x2], $0xC800, $0x38;
	[tilespmem:$0x19680] =	vst v63  }
.Ltmp1:
0x89: {  	_ =	swait.ge [sflag:s6], $0xC800;
	(pc) =	sbr.rel @!p1 .LBB2_3-.Ltmp1, $4  }
0x8a: {  	[sflag:s6] =	ssyncset.done $0x0  }
0x8b: {  	[sflag:s6] =	ssyncadd.s32 $0xFFFF3800  }
0x8c: {  	p0 =	por $0x1, $0x1;
	_ =	swait.ge [sflag:s6], $0xC800  }
0x8d: {  	s1 =	sadd.s32 $0xFFFFFFFF, s17;
	s0 =	rddreg [dreg:$0x4];
	[sflag:s6] =	ssyncset.done $0x0  }
.LBB2_4:
0x8e: {  	[sflag:s6] =	ssyncadd.s32 $0xFFFF3800  }
0x8f: {  	[tilespmem:s2], [sflag:$0x3] =	stream.linear.gather [hbm4b:s0+s2], $0x640, $0x38;
	[tilespmem:$0x19680] =	vst v63  }
0x90: {  	_ =	swait.ge [sflag:s28], $0x640  }
0x91: {  	[sflag:s28] =	ssyncset.done $0x0  }
0x92: {  	[sflag:s28] =	ssyncadd.s32 $0xFFFFF9C0  }
0x93: {  	[tilespmem:s5], [sflag:$0x1] =	stream.indirect.gather [hbm4b:s3+s8], $0x80, s2, s8, $0xb8;
	[tilespmem:$0x19680] =	vst v63  }
0x94: {  	_ = 	snop  }
0x95: {  	[tilespmem:s13], [sflag:$0x1] =	stream.indirect.gather [hbm4b:s3+s8], $0x80, s8, s8, $0xb8;
	[tilespmem:$0x19680] =	vst v63  }
0x96: {  	s0 =	rddreg [dreg:$0x9]  }
0x97: {  	[tilespmem:s14], [sflag:$0x1] =	stream.indirect.gather [hbm4b:s3+s8], $0x80, s0, s8, $0xb8;
	[tilespmem:$0x19680] =	vst v63  }
0x98: {  	s17 =	rddreg [dreg:$0xa]  }
0x99: {  	[tilespmem:s15], [sflag:$0x1] =	stream.indirect.gather [hbm4b:s3+s8], $0x80, s17, s8, $0xb8;
	[tilespmem:$0x19680] =	vst v63  }
0x9a: {  	s0 =	rddreg [dreg:$0xb]  }
0x9b: {  	[tilespmem:s16], [sflag:$0x1] =	stream.indirect.gather [hbm4b:s3+s8], $0x80, s0, s8, $0xb8;
	[tilespmem:$0x19680] =	vst v63  }
0x9c: {  	s17 =	rddreg [dreg:$0xc]  }
0x9d: {  	[tilespmem:s4], [sflag:$0x1] =	stream.indirect.gather [hbm4b:s3+s8], $0x80, s17, s8, $0xb8;
	[tilespmem:$0x19680] =	vst v63  }
0x9e: {  	s0 =	rddreg [dreg:$0xd]  }
0x9f: {  	[tilespmem:s9], [sflag:$0x1] =	stream.indirect.gather [hbm4b:s3+s8], $0x80, s0, s8, $0xb8;
	[tilespmem:$0x19680] =	vst v63  }
0xa0: {  	s17 =	simm.s32 $0x230  }
0xa1: {  	[tilespmem:s10], [sflag:$0x1] =	stream.indirect.gather [hbm4b:s3+s8], $0x80, s17, s8, $0xb8;
	[tilespmem:$0x19680] =	vst v63  }
0xa2: {  	_ = 	snop  }
0xa3: {  	[tilespmem:s11], [sflag:$0x1] =	stream.indirect.gather [hbm4b:s3+s8], $0x80, s31, s8, $0xb8;
	[tilespmem:$0x19680] =	vst v63  }
0xa4: {  	_ = 	snop  }
0xa5: {  	[tilespmem:s12], [sflag:$0x1] =	stream.indirect.gather [hbm4b:s3+s8], $0x80, s30, s8, $0xb8;
	[tilespmem:$0x19680] =	vst v63  }
0xa6: {  	_ =	swait.ge [sflag:s7], $0x2800  }
0xa7: {  	[sflag:s7] =	ssyncset.done $0x0  }
0xa8: {  	[sflag:s7] =	ssyncadd.s32 $0xFFFFD800  }
0xa9: {  	_ =	swait.ge [sflag:s7], $0x2800  }
0xaa: {  	[sflag:s7] =	ssyncset.done $0x0  }
0xab: {  	[sflag:s7] =	ssyncadd.s32 $0xFFFFD800  }
0xac: {  	_ =	swait.ge [sflag:s7], $0x2800  }
0xad: {  	[sflag:s7] =	ssyncset.done $0x0  }
0xae: {  	[sflag:s7] =	ssyncadd.s32 $0xFFFFD800  }
0xaf: {  	_ =	swait.ge [sflag:s7], $0x2800  }
0xb0: {  	[sflag:s7] =	ssyncset.done $0x0  }
0xb1: {  	[sflag:s7] =	ssyncadd.s32 $0xFFFFD800  }
0xb2: {  	_ =	swait.ge [sflag:s7], $0x2800  }
0xb3: {  	[sflag:s7] =	ssyncset.done $0x0  }
0xb4: {  	s17 =	rddreg [dreg:$0x5];
	[sflag:s7] =	ssyncadd.s32 $0xFFFFD800  }
0xb5: {  	[hbm4b:s17+s2] =	stream.linear.scatter [tilespmem:s5], [sflag:$0x2], $0xC800, $0x38;
	[tilespmem:$0x19680] =	vst v63  }
0xb6: {  	_ =	swait.ge [sflag:s6], $0xC800  }
0xb7: {  	[sflag:s6] =	ssyncset.done $0x0  }
0xb8: {  	[sflag:s6] =	ssyncadd.s32 $0xFFFF3800  }
0xb9: {  	[tilespmem:s5], [sflag:$0x1] =	stream.indirect.gather [hbm4b:s3+s8], $0x80, s23, s8, $0xb8;
	[tilespmem:$0x19680] =	vst v63  }
0xba: {  	_ = 	snop  }
0xbb: {  	[tilespmem:s13], [sflag:$0x1] =	stream.indirect.gather [hbm4b:s3+s8], $0x80, s24, s8, $0xb8;
	[tilespmem:$0x19680] =	vst v63  }
0xbc: {  	_ = 	snop  }
0xbd: {  	[tilespmem:s14], [sflag:$0x1] =	stream.indirect.gather [hbm4b:s3+s8], $0x80, s25, s8, $0xb8;
	[tilespmem:$0x19680] =	vst v63  }
0xbe: {  	_ = 	snop  }
0xbf: {  	[tilespmem:s15], [sflag:$0x1] =	stream.indirect.gather [hbm4b:s3+s8], $0x80, s26, s8, $0xb8;
	[tilespmem:$0x19680] =	vst v63  }
0xc0: {  	_ = 	snop  }
0xc1: {  	[tilespmem:s16], [sflag:$0x1] =	stream.indirect.gather [hbm4b:s3+s8], $0x80, s29, s8, $0xb8;
	[tilespmem:$0x19680] =	vst v63  }
0xc2: {  	_ =	swait.ge [sflag:s7], $0x2800  }
0xc3: {  	[sflag:s7] =	ssyncset.done $0x0  }
0xc4: {  	[sflag:s7] =	ssyncadd.s32 $0xFFFFD800  }
0xc5: {  	_ =	swait.ge [sflag:s7], $0x2800  }
0xc6: {  	[sflag:s7] =	ssyncset.done $0x0  }
0xc7: {  	[sflag:s7] =	ssyncadd.s32 $0xFFFFD800  }
0xc8: {  	_ =	swait.ge [sflag:s7], $0x2800  }
0xc9: {  	[sflag:s7] =	ssyncset.done $0x0  }
0xca: {  	[sflag:s7] =	ssyncadd.s32 $0xFFFFD800  }
0xcb: {  	_ =	swait.ge [sflag:s7], $0x2800  }
0xcc: {  	[sflag:s7] =	ssyncset.done $0x0  }
0xcd: {  	[sflag:s7] =	ssyncadd.s32 $0xFFFFD800  }
0xce: {  	_ =	swait.ge [sflag:s7], $0x2800  }
0xcf: {  	[sflag:s7] =	ssyncset.done $0x0  }
0xd0: {  	s17 =	rddreg [dreg:$0x6];
	[sflag:s7] =	ssyncadd.s32 $0xFFFFD800  }
0xd1: {  	[hbm4b:s17+s2] =	stream.linear.scatter [tilespmem:s4], [sflag:$0x2], $0xC800, $0x38;
	[tilespmem:$0x19680] =	vst v63  }
0xd2: {  	_ =	swait.ge [sflag:s6], $0xC800  }
0xd3: {  	[sflag:s6] =	ssyncset.done $0x0  }
0xd4: {  	[sflag:s6] =	ssyncadd.s32 $0xFFFF3800  }
0xd5: {  	[tilespmem:s4], [sflag:$0x1] =	stream.indirect.gather [hbm4b:s3+s8], $0x80, s18, s8, $0xb8;
	[tilespmem:$0x19680] =	vst v63  }
0xd6: {  	_ = 	snop  }
0xd7: {  	[tilespmem:s9], [sflag:$0x1] =	stream.indirect.gather [hbm4b:s3+s8], $0x80, s19, s8, $0xb8;
	[tilespmem:$0x19680] =	vst v63  }
0xd8: {  	_ = 	snop  }
0xd9: {  	[tilespmem:s10], [sflag:$0x1] =	stream.indirect.gather [hbm4b:s3+s8], $0x80, s20, s8, $0xb8;
	[tilespmem:$0x19680] =	vst v63  }
0xda: {  	_ = 	snop  }
0xdb: {  	[tilespmem:s11], [sflag:$0x1] =	stream.indirect.gather [hbm4b:s3+s8], $0x80, s21, s8, $0xb8;
	[tilespmem:$0x19680] =	vst v63  }
0xdc: {  	_ = 	snop  }
0xdd: {  	[tilespmem:s12], [sflag:$0x1] =	stream.indirect.gather [hbm4b:s3+s8], $0x80, s22, s8, $0xb8;
	[tilespmem:$0x19680] =	vst v63  }
0xde: {  	_ =	swait.ge [sflag:s7], $0x2800  }
0xdf: {  	[sflag:s7] =	ssyncset.done $0x0  }
0xe0: {  	[sflag:s7] =	ssyncadd.s32 $0xFFFFD800  }
0xe1: {  	_ =	swait.ge [sflag:s7], $0x2800  }
0xe2: {  	[sflag:s7] =	ssyncset.done $0x0  }
0xe3: {  	[sflag:s7] =	ssyncadd.s32 $0xFFFFD800  }
0xe4: {  	_ =	swait.ge [sflag:s7], $0x2800  }
0xe5: {  	[sflag:s7] =	ssyncset.done $0x0  }
0xe6: {  	[sflag:s7] =	ssyncadd.s32 $0xFFFFD800  }
0xe7: {  	_ =	swait.ge [sflag:s7], $0x2800  }
0xe8: {  	[sflag:s7] =	ssyncset.done $0x0  }
0xe9: {  	[sflag:s7] =	ssyncadd.s32 $0xFFFFD800  }
0xea: {  	_ =	swait.ge [sflag:s7], $0x2800  }
0xeb: {  	[sflag:s7] =	ssyncset.done $0x0  }
0xec: {  	s17 =	rddreg [dreg:$0x7];
	[sflag:s7] =	ssyncadd.s32 $0xFFFFD800  }
0xed: {  	[hbm4b:s17+s2] =	stream.linear.scatter [tilespmem:s5], [sflag:$0x2], $0xC800, $0x38;
	[tilespmem:$0x19680] =	vst v63  }
0xee: {  	_ =	swait.ge [sflag:s7], $0x2800  }
0xef: {  	[sflag:s7] =	ssyncset.done $0x0  }
0xf0: {  	[sflag:s7] =	ssyncadd.s32 $0xFFFFD800  }
0xf1: {  	_ =	swait.ge [sflag:s7], $0x2800  }
0xf2: {  	[sflag:s7] =	ssyncset.done $0x0  }
0xf3: {  	[sflag:s7] =	ssyncadd.s32 $0xFFFFD800  }
0xf4: {  	_ =	swait.ge [sflag:s7], $0x2800  }
0xf5: {  	[sflag:s7] =	ssyncset.done $0x0  }
0xf6: {  	[sflag:s7] =	ssyncadd.s32 $0xFFFFD800  }
0xf7: {  	_ =	swait.ge [sflag:s7], $0x2800  }
0xf8: {  	[sflag:s7] =	ssyncset.done $0x0  }
0xf9: {  	[sflag:s7] =	ssyncadd.s32 $0xFFFFD800  }
0xfa: {  	_ =	swait.ge [sflag:s7], $0x2800  }
0xfb: {  	[sflag:s7] =	ssyncset.done $0x0  }
0xfc: {  	p1 =	sne.s32 s1, $0x1;
	s17 =	rddreg [dreg:$0x8];
	[sflag:s7] =	ssyncadd.s32 $0xFFFFD800  }
0xfd: {  	[hbm4b:s17+s2] =	stream.linear.scatter [tilespmem:s4], [sflag:$0x2], $0xC800, $0x38;
	[tilespmem:$0x19680] =	vst v63  }
.Ltmp2:
0xfe: {  	_ =	swait.ge [sflag:s6], $0xC800;
	(pc) =	sbr.rel @p1 .LBB2_4-.Ltmp2, $4  }
0xff: {  	[sflag:s6] =	ssyncset.done $0x0  }
0x100: {  	[sflag:s6] =	ssyncadd.s32 $0xFFFF3800  }
0x101: {  	_ =	swait.ge [sflag:s6], $0xC800  }
0x102: {  	s1 =	sadd.s32 $0xFFFFFFFF, s1;
	s0 =	rddreg [dreg:$0x4];
	[sflag:s6] =	ssyncset.done $0x0  }
0x103: {  	s17 =	simm.s32 $0x2D0  }
0x104: {  	s31 =	simm.s32 $0x280;
	s30 =	simm.s32 $0x230;
	s29 =	simm.s32 $0x460  }
0x105: {  	s26 =	simm.s32 $0x410;
	s25 =	simm.s32 $0x3C0;
	s24 =	simm.s32 $0x370  }
0x106: {  	s23 =	simm.s32 $0x320;
	s22 =	simm.s32 $0x5F0;
	s21 =	simm.s32 $0x5A0  }
0x107: {  	s20 =	simm.s32 $0x550;
	s19 =	simm.s32 $0x500;
	s18 =	simm.s32 $0x4B0  }
.LBB2_6:
0x108: {  	[sflag:s6] =	ssyncadd.s32 @p0 $0xFFFF3800  }
0x109: {  	[tilespmem:s2], [sflag:$0x3] =	stream.linear.gather [hbm4b:s0+s2], $0x640, $0x38;
	[tilespmem:$0x19680] =	vst v63  }
0x10a: {  	_ =	swait.ge [sflag:s28], $0x640  }
0x10b: {  	[sflag:s28] =	ssyncset.done $0x0  }
0x10c: {  	[sflag:s28] =	ssyncadd.s32 $0xFFFFF9C0  }
0x10d: {  	[tilespmem:s5], [sflag:$0x1] =	stream.indirect.gather [hbm4b:s3+s8], $0x80, s2, s8, $0xb8;
	[tilespmem:$0x19680] =	vst v63  }
0x10e: {  	_ = 	snop  }
0x10f: {  	[tilespmem:s13], [sflag:$0x1] =	stream.indirect.gather [hbm4b:s3+s8], $0x80, s8, s8, $0xb8;
	[tilespmem:$0x19680] =	vst v63  }
0x110: {  	s28 =	rddreg [dreg:$0x9]  }
0x111: {  	[tilespmem:s14], [sflag:$0x1] =	stream.indirect.gather [hbm4b:s3+s8], $0x80, s28, s8, $0xb8;
	[tilespmem:$0x19680] =	vst v63  }
0x112: {  	s1 =	rddreg [dreg:$0xa]  }
0x113: {  	[tilespmem:s15], [sflag:$0x1] =	stream.indirect.gather [hbm4b:s3+s8], $0x80, s1, s8, $0xb8;
	[tilespmem:$0x19680] =	vst v63  }
0x114: {  	s28 =	rddreg [dreg:$0xb]  }
0x115: {  	[tilespmem:s16], [sflag:$0x1] =	stream.indirect.gather [hbm4b:s3+s8], $0x80, s28, s8, $0xb8;
	[tilespmem:$0x19680] =	vst v63  }
0x116: {  	s1 =	rddreg [dreg:$0xc]  }
0x117: {  	[tilespmem:s4], [sflag:$0x1] =	stream.indirect.gather [hbm4b:s3+s8], $0x80, s1, s8, $0xb8;
	[tilespmem:$0x19680] =	vst v63  }
0x118: {  	s28 =	rddreg [dreg:$0xd]  }
0x119: {  	[tilespmem:s9], [sflag:$0x1] =	stream.indirect.gather [hbm4b:s3+s8], $0x80, s28, s8, $0xb8;
	[tilespmem:$0x19680] =	vst v63  }
0x11a: {  	_ = 	snop  }
0x11b: {  	[tilespmem:s10], [sflag:$0x1] =	stream.indirect.gather [hbm4b:s3+s8], $0x80, s30, s8, $0xb8;
	[tilespmem:$0x19680] =	vst v63  }
0x11c: {  	_ = 	snop  }
0x11d: {  	[tilespmem:s11], [sflag:$0x1] =	stream.indirect.gather [hbm4b:s3+s8], $0x80, s31, s8, $0xb8;
	[tilespmem:$0x19680] =	vst v63  }
0x11e: {  	_ = 	snop  }
0x11f: {  	[tilespmem:s12], [sflag:$0x1] =	stream.indirect.gather [hbm4b:s3+s8], $0x80, s17, s8, $0xb8;
	[tilespmem:$0x19680] =	vst v63  }
0x120: {  	_ =	swait.ge [sflag:s7], $0x2800  }
0x121: {  	[sflag:s7] =	ssyncset.done $0x0  }
0x122: {  	[sflag:s7] =	ssyncadd.s32 $0xFFFFD800  }
0x123: {  	_ =	swait.ge [sflag:s7], $0x2800  }
0x124: {  	[sflag:s7] =	ssyncset.done $0x0  }
0x125: {  	[sflag:s7] =	ssyncadd.s32 $0xFFFFD800  }
0x126: {  	_ =	swait.ge [sflag:s7], $0x2800  }
0x127: {  	[sflag:s7] =	ssyncset.done $0x0  }
0x128: {  	[sflag:s7] =	ssyncadd.s32 $0xFFFFD800  }
0x129: {  	_ =	swait.ge [sflag:s7], $0x2800  }
0x12a: {  	[sflag:s7] =	ssyncset.done $0x0  }
0x12b: {  	[sflag:s7] =	ssyncadd.s32 $0xFFFFD800  }
0x12c: {  	_ =	swait.ge [sflag:s7], $0x2800  }
0x12d: {  	[sflag:s7] =	ssyncset.done $0x0  }
0x12e: {  	s17 =	rddreg [dreg:$0x5];
	[sflag:s7] =	ssyncadd.s32 $0xFFFFD800  }
0x12f: {  	[hbm4b:s17+s2] =	stream.linear.scatter [tilespmem:s5], [sflag:$0x2], $0xC800, $0x38;
	[tilespmem:$0x19680] =	vst v63  }
0x130: {  	_ =	swait.ge [sflag:s6], $0xC800  }
0x131: {  	[sflag:s6] =	ssyncset.done $0x0  }
0x132: {  	[sflag:s6] =	ssyncadd.s32 $0xFFFF3800  }
0x133: {  	[tilespmem:s5], [sflag:$0x1] =	stream.indirect.gather [hbm4b:s3+s8], $0x80, s23, s8, $0xb8;
	[tilespmem:$0x19680] =	vst v63  }
0x134: {  	_ = 	snop  }
0x135: {  	[tilespmem:s13], [sflag:$0x1] =	stream.indirect.gather [hbm4b:s3+s8], $0x80, s24, s8, $0xb8;
	[tilespmem:$0x19680] =	vst v63  }
0x136: {  	_ = 	snop  }
0x137: {  	[tilespmem:s14], [sflag:$0x1] =	stream.indirect.gather [hbm4b:s3+s8], $0x80, s25, s8, $0xb8;
	[tilespmem:$0x19680] =	vst v63  }
0x138: {  	_ = 	snop  }
0x139: {  	[tilespmem:s15], [sflag:$0x1] =	stream.indirect.gather [hbm4b:s3+s8], $0x80, s26, s8, $0xb8;
	[tilespmem:$0x19680] =	vst v63  }
0x13a: {  	_ = 	snop  }
0x13b: {  	[tilespmem:s16], [sflag:$0x1] =	stream.indirect.gather [hbm4b:s3+s8], $0x80, s29, s8, $0xb8;
	[tilespmem:$0x19680] =	vst v63  }
0x13c: {  	_ =	swait.ge [sflag:s7], $0x2800  }
0x13d: {  	[sflag:s7] =	ssyncset.done $0x0  }
0x13e: {  	[sflag:s7] =	ssyncadd.s32 $0xFFFFD800  }
0x13f: {  	_ =	swait.ge [sflag:s7], $0x2800  }
0x140: {  	[sflag:s7] =	ssyncset.done $0x0  }
0x141: {  	[sflag:s7] =	ssyncadd.s32 $0xFFFFD800  }
0x142: {  	_ =	swait.ge [sflag:s7], $0x2800  }
0x143: {  	[sflag:s7] =	ssyncset.done $0x0  }
0x144: {  	[sflag:s7] =	ssyncadd.s32 $0xFFFFD800  }
0x145: {  	_ =	swait.ge [sflag:s7], $0x2800  }
0x146: {  	[sflag:s7] =	ssyncset.done $0x0  }
0x147: {  	[sflag:s7] =	ssyncadd.s32 $0xFFFFD800  }
0x148: {  	_ =	swait.ge [sflag:s7], $0x2800  }
0x149: {  	[sflag:s7] =	ssyncset.done $0x0  }
0x14a: {  	s28 =	rddreg [dreg:$0x6];
	[sflag:s7] =	ssyncadd.s32 $0xFFFFD800  }
0x14b: {  	[hbm4b:s28+s2] =	stream.linear.scatter [tilespmem:s4], [sflag:$0x2], $0xC800, $0x38;
	[tilespmem:$0x19680] =	vst v63  }
0x14c: {  	_ =	swait.ge [sflag:s6], $0xC800  }
0x14d: {  	[sflag:s6] =	ssyncset.done $0x0  }
0x14e: {  	[sflag:s6] =	ssyncadd.s32 $0xFFFF3800  }
0x14f: {  	[tilespmem:s4], [sflag:$0x1] =	stream.indirect.gather [hbm4b:s3+s8], $0x80, s18, s8, $0xb8;
	[tilespmem:$0x19680] =	vst v63  }
0x150: {  	_ = 	snop  }
0x151: {  	[tilespmem:s9], [sflag:$0x1] =	stream.indirect.gather [hbm4b:s3+s8], $0x80, s19, s8, $0xb8;
	[tilespmem:$0x19680] =	vst v63  }
0x152: {  	_ = 	snop  }
0x153: {  	[tilespmem:s10], [sflag:$0x1] =	stream.indirect.gather [hbm4b:s3+s8], $0x80, s20, s8, $0xb8;
	[tilespmem:$0x19680] =	vst v63  }
0x154: {  	_ = 	snop  }
0x155: {  	[tilespmem:s11], [sflag:$0x1] =	stream.indirect.gather [hbm4b:s3+s8], $0x80, s21, s8, $0xb8;
	[tilespmem:$0x19680] =	vst v63  }
0x156: {  	_ = 	snop  }
0x157: {  	[tilespmem:s12], [sflag:$0x1] =	stream.indirect.gather [hbm4b:s3+s8], $0x80, s22, s8, $0xb8;
	[tilespmem:$0x19680] =	vst v63  }
0x158: {  	_ =	swait.ge [sflag:s7], $0x2800  }
0x159: {  	[sflag:s7] =	ssyncset.done $0x0  }
0x15a: {  	[sflag:s7] =	ssyncadd.s32 $0xFFFFD800  }
0x15b: {  	_ =	swait.ge [sflag:s7], $0x2800  }
0x15c: {  	[sflag:s7] =	ssyncset.done $0x0  }
0x15d: {  	[sflag:s7] =	ssyncadd.s32 $0xFFFFD800  }
0x15e: {  	_ =	swait.ge [sflag:s7], $0x2800  }
0x15f: {  	[sflag:s7] =	ssyncset.done $0x0  }
0x160: {  	[sflag:s7] =	ssyncadd.s32 $0xFFFFD800  }
0x161: {  	_ =	swait.ge [sflag:s7], $0x2800  }
0x162: {  	[sflag:s7] =	ssyncset.done $0x0  }
0x163: {  	[sflag:s7] =	ssyncadd.s32 $0xFFFFD800  }
0x164: {  	_ =	swait.ge [sflag:s7], $0x2800  }
0x165: {  	[sflag:s7] =	ssyncset.done $0x0  }
0x166: {  	s29 =	rddreg [dreg:$0x7];
	[sflag:s7] =	ssyncadd.s32 $0xFFFFD800  }
0x167: {  	[hbm4b:s29+s2] =	stream.linear.scatter [tilespmem:s5], [sflag:$0x2], $0xC800, $0x38;
	[tilespmem:$0x19680] =	vst v63  }
0x168: {  	_ =	swait.ge [sflag:s7], $0x2800  }
0x169: {  	[sflag:s7] =	ssyncset.done $0x0  }
0x16a: {  	[sflag:s7] =	ssyncadd.s32 $0xFFFFD800  }
0x16b: {  	_ =	swait.ge [sflag:s7], $0x2800  }
0x16c: {  	[sflag:s7] =	ssyncset.done $0x0  }
0x16d: {  	[sflag:s7] =	ssyncadd.s32 $0xFFFFD800  }
0x16e: {  	_ =	swait.ge [sflag:s7], $0x2800  }
0x16f: {  	[sflag:s7] =	ssyncset.done $0x0  }
0x170: {  	[sflag:s7] =	ssyncadd.s32 $0xFFFFD800  }
0x171: {  	_ =	swait.ge [sflag:s7], $0x2800  }
0x172: {  	[sflag:s7] =	ssyncset.done $0x0  }
0x173: {  	[sflag:s7] =	ssyncadd.s32 $0xFFFFD800  }
0x174: {  	_ =	swait.ge [sflag:s7], $0x2800  }
0x175: {  	[sflag:s7] =	ssyncset.done $0x0  }
0x176: {  	s30 =	rddreg [dreg:$0x8];
	[sflag:s7] =	ssyncadd.s32 $0xFFFFD800  }
0x177: {  	[hbm4b:s30+s2] =	stream.linear.scatter [tilespmem:s4], [sflag:$0x2], $0xC800, $0x38;
	[tilespmem:$0x19680] =	vst v63  }
0x178: {  	_ =	swait.ge [sflag:s6], $0xC800  }
0x179: {  	[sflag:s6] =	ssyncset.done $0x0  }
0x17a: {  	[sflag:s6] =	ssyncadd.s32 $0xFFFF3800  }
0x17b: {  	_ =	swait.ge [sflag:s6], $0xC800  }
0x17c: {  	[sflag:s6] =	ssyncset.done $0x0  }
0x17d: {  	[sflag:s6] =	ssyncadd.s32 $0xFFFF3800  }
0x17e: {  	_ =	sfence.sel $0x180000  }
0x17f: {  	[bflag:$0x0] =	sbarrier.arrive $0xFFFF  }
0x180: {  	_ =	strace $0x90000047  }
0x181: {  	s31 =	stileid.u32;
	[bflag:$0x2] =	sbarrier.arrive $0xFFFF  }
0x182: {  	p0 =	sne.s32 s31, $0x0;
	s0 =	rddreg [dreg:$0x3]  }
0x183: {  	s0 =	sadd.s32 @!p0 $0x100000, s0  }
0x184: {  	[sflag:s0] =	ssyncadd.tile.s32 @!p0 $0x1;
	_ =	shalt  }
.LBB2_1:
.Ltmp3:
0x185: {  	s17 =	simm.s32 $0x2D0;
	(pc) =	sbr.rel .LBB2_6-.Ltmp3, $4  }
0x186: {  	s31 =	simm.s32 $0x280;
	s30 =	simm.s32 $0x230;
	s29 =	simm.s32 $0x460  }
0x187: {  	s26 =	simm.s32 $0x410;
	s25 =	simm.s32 $0x3C0;
	s24 =	simm.s32 $0x370  }
0x188: {  	s23 =	simm.s32 $0x320;
	s22 =	simm.s32 $0x5F0;
	s21 =	simm.s32 $0x5A0  }
0x189: {  	s20 =	simm.s32 $0x550;
	s19 =	simm.s32 $0x500;
	s18 =	simm.s32 $0x4B0  }
.LBB2_3:
.Ltmp4:
0x18a: {  	s17 =	simm.s32 $0x2D0;
	(pc) =	sbr.rel .LBB2_6-.Ltmp4, $4  }
0x18b: {  	s31 =	simm.s32 $0x280;
	s30 =	simm.s32 $0x230;
	s29 =	simm.s32 $0x460  }
0x18c: {  	s26 =	simm.s32 $0x410;
	s25 =	simm.s32 $0x3C0;
	s24 =	simm.s32 $0x370  }
0x18d: {  	s23 =	simm.s32 $0x320;
	s22 =	simm.s32 $0x5F0;
	s21 =	simm.s32 $0x5A0  }
0x18e: {  	s20 =	simm.s32 $0x550;
	s19 =	simm.s32 $0x500;
	s18 =	simm.s32 $0x4B0  }
.Lfunc_end2:
_tile_overlayer_lowered:
.L_overlay_start_2:
0x18f: {  	(tag) =	ssettag $0x2  }
0x190: {  	s0 =	rddreg [dreg:$0x0];
	s2 =	stileid.u32  }
0x191: {  	s1 =	rddreg [dreg:$0x1];
	p0 =	sne.s32 s2, $0x0  }
0x192: {  	s3 =	rddreg [dreg:$0x2];
	[bflag:$0x3] =	sbarrier.arrive $0xFFFF;
	s2 =	simm.s32 @!p0 $0x1C03  }
0x193: {  	[timem:s3], [sflag:s2] =	dma.local @!p0 [hbm:s0], s1  }
0x194: {  	s0 =	simm.s32 @!p0 $0x3  }
0x195: {  	_ =	swait.ge @!p0 [sflag:s0], s1  }
0x196: {  	s1 =	ssub.s32 @!p0 $0x0, s1;
	[sflag:s0] =	ssyncset.done @!p0 $0x0  }
0x197: {  	[sflag:s0] =	ssyncadd.s32 @!p0 s1  }
0x198: {  	[bflag:$0x3] =	sbarrier.arrive $0xFFFF  }
0x199: {  	_ =	shalt  }

</sc_bundles>
